<compile_context>
chip_gen: v7x
topology: tpu7x:2x2x1
jax: 0.10.2.dev20260603
libtpu: 0.0.44.dev20260713+nightly
codegen_flags: <defaults>
</compile_context>

<pallas_src>
import functools

import jax
import jax.numpy as jnp
from jax import lax
from jax.experimental import pallas as pl
from jax.experimental.pallas import tpu as pltpu
from jax.experimental.pallas import tpu_sc as plsc

D = 100
DP = 128
CHUNK = 128
NBUF = 5
NC = 2
NS = 16
NW = NC * NS


def _emb_kernel_body(table_hbm, idx_hbm, out_hbm, idx_v, rows_v, gsem, wsem):
    n_chunks = idx_hbm.shape[1]
    wid = lax.axis_index("s") * NC + lax.axis_index("c")
    pltpu.sync_copy(idx_hbm.at[wid], idx_v)

    def fire_gather(j, b):
        pltpu.async_copy(table_hbm.at[idx_v.at[j]], rows_v.at[b], gsem)

    def wait_gather(j, b):
        pltpu.make_async_copy(
            table_hbm.at[idx_v.at[j]], rows_v.at[b], gsem).wait()

    def fire_write(j, b):
        pltpu.async_copy(rows_v.at[b], out_hbm.at[wid, j], wsem)

    def wait_write(j, b):
        pltpu.make_async_copy(rows_v.at[b], out_hbm.at[wid, j], wsem).wait()

    def step(j, p, do_wait_w, do_fire_g):
        wait_gather(j, p)
        fire_write(j, p)
        if do_wait_w:
            wait_write(j - 1, (p - 1) % NBUF)
        if do_fire_g:
            fire_gather(j + NBUF - 1, (p - 1) % NBUF)

    for b in range(NBUF - 1):
        fire_gather(b, b)
    step(0, 0, False, True)
    for j in range(1, NBUF):
        step(j, j % NBUF, True, True)

    def body(g, carry):
        j0 = g * NBUF
        for p in range(NBUF):
            step(j0 + p, p, True, True)
        return carry

    lax.fori_loop(1, n_chunks // NBUF - 1, body, 0)

    j0 = n_chunks - NBUF
    for p in range(NBUF):
        j = j0 + p
        step(j, p, True, j + NBUF - 1 < n_chunks)
    wait_write(n_chunks - 1, (n_chunks - 1) % NBUF)


def kernel(word_embeddings, input_ids, seq_length):
    B0, S = input_ids.shape
    B = B0 * S
    n_chunks = B // (NW * CHUNK)
    idx = input_ids.reshape(-1).astype(jnp.int32).reshape(NW, n_chunks, CHUNK)
    table = jnp.pad(word_embeddings, ((0, 0), (0, DP - D)))

    mesh = plsc.VectorSubcoreMesh(core_axis_name="c", subcore_axis_name="s")
    emb = functools.partial(
        pl.kernel,
        mesh=mesh,
        compiler_params=pltpu.CompilerParams(use_tc_tiling_on_sc=False),
        out_type=jax.ShapeDtypeStruct((NW, n_chunks, CHUNK, DP), jnp.float32),
        scratch_types=[
            pltpu.VMEM((n_chunks, CHUNK), jnp.int32),
            pltpu.VMEM((NBUF, CHUNK, DP), jnp.float32),
            pltpu.SemaphoreType.DMA,
            pltpu.SemaphoreType.DMA,
        ],
    )(_emb_kernel_body)

    out = emb(table, idx)
    return out.reshape(B0, S, DP)[:, :, :D]

# --- scband reference (transcript-rebuilt; emitter-appended) ---
"""Pipeline reference for scband-d2v-kmer-embedding-layer-6597069767449 (READ-ONLY COPY).

The authoritative reference and input builder live on the scoring server;
editing this copy changes nothing except your own understanding.
"""

import jax, jax.numpy as jnp
import numpy as np

VOCAB_SIZE = 65536
EMB_DIM = 100
SCALE_EMB = False


def setup_inputs(seed: int = 0) -> dict:
    key = jax.random.key(seed)
    k1, k2 = jax.random.split(key)
    # Glorot-uniform initialized embedding table [vocab_size, emb_dim]
    limit = float(np.sqrt(6.0 / (VOCAB_SIZE + EMB_DIM)))
    word_embeddings = jax.random.uniform(
        k1, (VOCAB_SIZE, EMB_DIM), dtype=jnp.float32, minval=-limit, maxval=limit
    )
    input_ids = jax.random.randint(k2, (4096, 200), 0, VOCAB_SIZE, dtype=jnp.int64)
    seq_length = 200
    return {
        "word_embeddings": word_embeddings,
        "input_ids": input_ids,
        "seq_length": seq_length,
    }


def reference(word_embeddings, input_ids, seq_length):
    # tf.nn.embedding_lookup(params=word_embeddings, ids=input_ids)
    output = jnp.take(word_embeddings, input_ids, axis=0)
    if SCALE_EMB:
        output = output * (EMB_DIM ** 0.5)
    return output

if __name__ == "__main__":
    import jax
    _d = setup_inputs()
    print(jax.jit(kernel)(*tuple(_d.values())))

</pallas_src>

<mosaic_0001>
#map = affine_map<(d0, d1) -> (0, 0)>
#map1 = affine_map<(d0, d1) -> (0, 0, 0)>
#map2 = affine_map<(d0, d1) -> (0, 0, 0, 0)>
module attributes {stable_mosaic.version = 14 : i64} {
  func.func @_emb_kernel_body(%arg0: i32, %arg1: i32, %arg2: memref<65536x128xf32, #tpu.memory_space<hbm>>, %arg3: memref<32x200x128xi32, #tpu.memory_space<hbm>>, %arg4: memref<32x200x128x128xf32, #tpu.memory_space<hbm>>, %arg5: memref<200x128xi32, #tpu.memory_space<vmem>>, %arg6: memref<5x128x128xf32, #tpu.memory_space<vmem>>, %arg7: memref<!tpu.dma_semaphore, #tpu.memory_space<semaphore_mem>>, %arg8: memref<!tpu.dma_semaphore, #tpu.memory_space<semaphore_mem>>) attributes {dimension_semantics = [#tpu.dimension_semantics<core_parallel>, #tpu.dimension_semantics<subcore_parallel>], iteration_bounds = array<i64: 2, 16>, scalar_prefetch = 0 : i64, scratch_operands = 4 : i64, tpu.core_type = #tpu.core_type<sc_vector_subcore>, window_params = [{transform_indices = #map}, {transform_indices = #map1}, {transform_indices = #map2}]} {
    %mul3A = arith.constant 2 : i32
    %mul3A_0 = arith.muli %arg1, %mul3A : i32
    %add3A = arith.addi %mul3A_0, %arg0 : i32
    "tpu.region"() ({
      %run_scoped3A = tpu.sem_alloc : memref<!tpu.dma_semaphore, #tpu.memory_space<semaphore_mem>>
      %dma_start3A_604 = arith.constant 0 : i32
      %dma_start3A_605 = arith.constant 0 : i32
      %dma_start3A_606 = tpu.memref_slice %arg3[%add3A, %dma_start3A_604, %dma_start3A_605] : memref<32x200x128xi32, #tpu.memory_space<hbm>> -> memref<1x200x128xi32, #tpu.memory_space<hbm>>
      %dma_start3A_607 = tpu.memref_squeeze %dma_start3A_606 : memref<1x200x128xi32, #tpu.memory_space<hbm>> -> memref<200x128xi32, #tpu.memory_space<hbm>>
      %dma_start3A_608 = arith.constant 0 : i32
      %dma_start3A_609 = arith.constant 0 : i32
      %dma_start3A_610 = tpu.memref_slice %arg3[%add3A, %dma_start3A_608, %dma_start3A_609] : memref<32x200x128xi32, #tpu.memory_space<hbm>> -> memref<1x200x128xi32, #tpu.memory_space<hbm>>
      %dma_start3A_611 = tpu.memref_squeeze %dma_start3A_610 : memref<1x200x128xi32, #tpu.memory_space<hbm>> -> memref<200x128xi32, #tpu.memory_space<hbm>>
      tpu.enqueue_dma source(%dma_start3A_611 : memref<200x128xi32, #tpu.memory_space<hbm>>) target(%arg5 : memref<200x128xi32, #tpu.memory_space<vmem>>) target_semaphore(%run_scoped3A : memref<!tpu.dma_semaphore, #tpu.memory_space<semaphore_mem>>)
      %dma_wait3A_612 = arith.constant 0 : i32
      %dma_wait3A_613 = arith.constant 0 : i32
      %dma_wait3A_614 = tpu.memref_slice %arg3[%add3A, %dma_wait3A_612, %dma_wait3A_613] : memref<32x200x128xi32, #tpu.memory_space<hbm>> -> memref<1x200x128xi32, #tpu.memory_space<hbm>>
      %dma_wait3A_615 = tpu.memref_squeeze %dma_wait3A_614 : memref<1x200x128xi32, #tpu.memory_space<hbm>> -> memref<200x128xi32, #tpu.memory_space<hbm>>
      %dma_wait3A_616 = arith.constant 0 : i32
      %dma_wait3A_617 = arith.constant 0 : i32
      %dma_wait3A_618 = tpu.memref_slice %arg3[%add3A, %dma_wait3A_616, %dma_wait3A_617] : memref<32x200x128xi32, #tpu.memory_space<hbm>> -> memref<1x200x128xi32, #tpu.memory_space<hbm>>
      %dma_wait3A_619 = tpu.memref_squeeze %dma_wait3A_618 : memref<1x200x128xi32, #tpu.memory_space<hbm>> -> memref<200x128xi32, #tpu.memory_space<hbm>>
      tpu.wait_dma2 semaphore(%run_scoped3A : memref<!tpu.dma_semaphore, #tpu.memory_space<semaphore_mem>>) src(%dma_wait3A_619 : memref<200x128xi32, #tpu.memory_space<hbm>>) dst(%arg5 : memref<200x128xi32, #tpu.memory_space<vmem>>)
      tpu.yield
    }) : () -> ()
    %dma_start3A = arith.constant 0 : i32
    %dma_start3A_1 = arith.constant 0 : i32
    %dma_start3A_2 = arith.constant 0 : i32
    %dma_start3A_3 = arith.constant 0 : i32
    %dma_start3A_4 = tpu.memref_slice %arg6[%dma_start3A_1, %dma_start3A_2, %dma_start3A_3] : memref<5x128x128xf32, #tpu.memory_space<vmem>> -> memref<1x128x128xf32, #tpu.memory_space<vmem>>
    %dma_start3A_5 = tpu.memref_squeeze %dma_start3A_4 : memref<1x128x128xf32, #tpu.memory_space<vmem>> -> memref<128x128xf32, #tpu.memory_space<vmem>>
    %dma_start3A_6 = arith.constant 0 : i32
    %dma_start3A_7 = tpu.memref_slice %arg5[%dma_start3A, %dma_start3A_6] : memref<200x128xi32, #tpu.memory_space<vmem>> -> memref<1x128xi32, #tpu.memory_space<vmem>>
    %dma_start3A_8 = tpu.memref_squeeze %dma_start3A_7 : memref<1x128xi32, #tpu.memory_space<vmem>> -> memref<128xi32, #tpu.memory_space<vmem>>
    %dma_start3A_9 = arith.constant 0 : i32
    %dma_start3A_10 = arith.constant 0 : i32
    %dma_start3A_11 = tpu.memref_slice %arg2[%dma_start3A_9, %dma_start3A_10] : memref<65536x128xf32, #tpu.memory_space<hbm>> -> memref<65536x128xf32, #tpu.memory_space<hbm>>
    tpu.enqueue_indirect_dma source(%dma_start3A_11 : memref<65536x128xf32, #tpu.memory_space<hbm>>) target(%dma_start3A_5 : memref<128x128xf32, #tpu.memory_space<vmem>>) offsets(%dma_start3A_8 : memref<128xi32, #tpu.memory_space<vmem>>) semaphore(%arg7 : memref<!tpu.dma_semaphore, #tpu.memory_space<semaphore_mem>>)
    %dma_start3A_12 = arith.constant 1 : i32
    %dma_start3A_13 = arith.constant 1 : i32
    %dma_start3A_14 = arith.constant 0 : i32
    %dma_start3A_15 = arith.constant 0 : i32
    %dma_start3A_16 = tpu.memref_slice %arg6[%dma_start3A_13, %dma_start3A_14, %dma_start3A_15] : memref<5x128x128xf32, #tpu.memory_space<vmem>> -> memref<1x128x128xf32, #tpu.memory_space<vmem>>
    %dma_start3A_17 = tpu.memref_squeeze %dma_start3A_16 : memref<1x128x128xf32, #tpu.memory_space<vmem>> -> memref<128x128xf32, #tpu.memory_space<vmem>>
    %dma_start3A_18 = arith.constant 0 : i32
    %dma_start3A_19 = tpu.memref_slice %arg5[%dma_start3A_12, %dma_start3A_18] : memref<200x128xi32, #tpu.memory_space<vmem>> -> memref<1x128xi32, #tpu.memory_space<vmem>>
    %dma_start3A_20 = tpu.memref_squeeze %dma_start3A_19 : memref<1x128xi32, #tpu.memory_space<vmem>> -> memref<128xi32, #tpu.memory_space<vmem>>
    %dma_start3A_21 = arith.constant 0 : i32
    %dma_start3A_22 = arith.constant 0 : i32
    %dma_start3A_23 = tpu.memref_slice %arg2[%dma_start3A_21, %dma_start3A_22] : memref<65536x128xf32, #tpu.memory_space<hbm>> -> memref<65536x128xf32, #tpu.memory_space<hbm>>
    tpu.enqueue_indirect_dma source(%dma_start3A_23 : memref<65536x128xf32, #tpu.memory_space<hbm>>) target(%dma_start3A_17 : memref<128x128xf32, #tpu.memory_space<vmem>>) offsets(%dma_start3A_20 : memref<128xi32, #tpu.memory_space<vmem>>) semaphore(%arg7 : memref<!tpu.dma_semaphore, #tpu.memory_space<semaphore_mem>>)
    %dma_start3A_24 = arith.constant 2 : i32
    %dma_start3A_25 = arith.constant 2 : i32
    %dma_start3A_26 = arith.constant 0 : i32
    %dma_start3A_27 = arith.constant 0 : i32
    %dma_start3A_28 = tpu.memref_slice %arg6[%dma_start3A_25, %dma_start3A_26, %dma_start3A_27] : memref<5x128x128xf32, #tpu.memory_space<vmem>> -> memref<1x128x128xf32, #tpu.memory_space<vmem>>
    %dma_start3A_29 = tpu.memref_squeeze %dma_start3A_28 : memref<1x128x128xf32, #tpu.memory_space<vmem>> -> memref<128x128xf32, #tpu.memory_space<vmem>>
    %dma_start3A_30 = arith.constant 0 : i32
    %dma_start3A_31 = tpu.memref_slice %arg5[%dma_start3A_24, %dma_start3A_30] : memref<200x128xi32, #tpu.memory_space<vmem>> -> memref<1x128xi32, #tpu.memory_space<vmem>>
    %dma_start3A_32 = tpu.memref_squeeze %dma_start3A_31 : memref<1x128xi32, #tpu.memory_space<vmem>> -> memref<128xi32, #tpu.memory_space<vmem>>
    %dma_start3A_33 = arith.constant 0 : i32
    %dma_start3A_34 = arith.constant 0 : i32
    %dma_start3A_35 = tpu.memref_slice %arg2[%dma_start3A_33, %dma_start3A_34] : memref<65536x128xf32, #tpu.memory_space<hbm>> -> memref<65536x128xf32, #tpu.memory_space<hbm>>
    tpu.enqueue_indirect_dma source(%dma_start3A_35 : memref<65536x128xf32, #tpu.memory_space<hbm>>) target(%dma_start3A_29 : memref<128x128xf32, #tpu.memory_space<vmem>>) offsets(%dma_start3A_32 : memref<128xi32, #tpu.memory_space<vmem>>) semaphore(%arg7 : memref<!tpu.dma_semaphore, #tpu.memory_space<semaphore_mem>>)
    %dma_start3A_36 = arith.constant 3 : i32
    %dma_start3A_37 = arith.constant 3 : i32
    %dma_start3A_38 = arith.constant 0 : i32
    %dma_start3A_39 = arith.constant 0 : i32
    %dma_start3A_40 = tpu.memref_slice %arg6[%dma_start3A_37, %dma_start3A_38, %dma_start3A_39] : memref<5x128x128xf32, #tpu.memory_space<vmem>> -> memref<1x128x128xf32, #tpu.memory_space<vmem>>
    %dma_start3A_41 = tpu.memref_squeeze %dma_start3A_40 : memref<1x128x128xf32, #tpu.memory_space<vmem>> -> memref<128x128xf32, #tpu.memory_space<vmem>>
    %dma_start3A_42 = arith.constant 0 : i32
    %dma_start3A_43 = tpu.memref_slice %arg5[%dma_start3A_36, %dma_start3A_42] : memref<200x128xi32, #tpu.memory_space<vmem>> -> memref<1x128xi32, #tpu.memory_space<vmem>>
    %dma_start3A_44 = tpu.memref_squeeze %dma_start3A_43 : memref<1x128xi32, #tpu.memory_space<vmem>> -> memref<128xi32, #tpu.memory_space<vmem>>
    %dma_start3A_45 = arith.constant 0 : i32
    %dma_start3A_46 = arith.constant 0 : i32
    %dma_start3A_47 = tpu.memref_slice %arg2[%dma_start3A_45, %dma_start3A_46] : memref<65536x128xf32, #tpu.memory_space<hbm>> -> memref<65536x128xf32, #tpu.memory_space<hbm>>
    tpu.enqueue_indirect_dma source(%dma_start3A_47 : memref<65536x128xf32, #tpu.memory_space<hbm>>) target(%dma_start3A_41 : memref<128x128xf32, #tpu.memory_space<vmem>>) offsets(%dma_start3A_44 : memref<128xi32, #tpu.memory_space<vmem>>) semaphore(%arg7 : memref<!tpu.dma_semaphore, #tpu.memory_space<semaphore_mem>>)
    %dma_wait3A = arith.constant 0 : i32
    %dma_wait3A_48 = arith.constant 0 : i32
    %dma_wait3A_49 = arith.constant 0 : i32
    %dma_wait3A_50 = arith.constant 0 : i32
    %dma_wait3A_51 = tpu.memref_slice %arg6[%dma_wait3A_48, %dma_wait3A_49, %dma_wait3A_50] : memref<5x128x128xf32, #tpu.memory_space<vmem>> -> memref<1x128x128xf32, #tpu.memory_space<vmem>>
    %dma_wait3A_52 = tpu.memref_squeeze %dma_wait3A_51 : memref<1x128x128xf32, #tpu.memory_space<vmem>> -> memref<128x128xf32, #tpu.memory_space<vmem>>
    %dma_wait3A_53 = arith.constant 0 : i32
    %dma_wait3A_54 = tpu.memref_slice %arg5[%dma_wait3A, %dma_wait3A_53] : memref<200x128xi32, #tpu.memory_space<vmem>> -> memref<1x128xi32, #tpu.memory_space<vmem>>
    %dma_wait3A_55 = tpu.memref_squeeze %dma_wait3A_54 : memref<1x128xi32, #tpu.memory_space<vmem>> -> memref<128xi32, #tpu.memory_space<vmem>>
    %dma_wait3A_56 = arith.constant 0 : i32
    %dma_wait3A_57 = arith.constant 0 : i32
    %dma_wait3A_58 = tpu.memref_slice %arg2[%dma_wait3A_56, %dma_wait3A_57] : memref<65536x128xf32, #tpu.memory_space<hbm>> -> memref<65536x128xf32, #tpu.memory_space<hbm>>
    tpu.wait_indirect_dma semaphore(%arg7 : memref<!tpu.dma_semaphore, #tpu.memory_space<semaphore_mem>>) src(%dma_wait3A_58 : memref<65536x128xf32, #tpu.memory_space<hbm>>) dst(%dma_wait3A_52 : memref<128x128xf32, #tpu.memory_space<vmem>>)
    %dma_start3A_59 = arith.constant 0 : i32
    %dma_start3A_60 = arith.constant 0 : i32
    %dma_start3A_61 = arith.constant 0 : i32
    %dma_start3A_62 = arith.constant 0 : i32
    %dma_start3A_63 = tpu.memref_slice %arg6[%dma_start3A_59, %dma_start3A_61, %dma_start3A_62] : memref<5x128x128xf32, #tpu.memory_space<vmem>> -> memref<1x128x128xf32, #tpu.memory_space<vmem>>
    %dma_start3A_64 = tpu.memref_squeeze %dma_start3A_63 : memref<1x128x128xf32, #tpu.memory_space<vmem>> -> memref<128x128xf32, #tpu.memory_space<vmem>>
    %dma_start3A_65 = arith.constant 0 : i32
    %dma_start3A_66 = arith.constant 0 : i32
    %dma_start3A_67 = tpu.memref_slice %arg4[%add3A, %dma_start3A_60, %dma_start3A_65, %dma_start3A_66] : memref<32x200x128x128xf32, #tpu.memory_space<hbm>> -> memref<1x1x128x128xf32, #tpu.memory_space<hbm>>
    %dma_start3A_68 = tpu.memref_squeeze %dma_start3A_67 : memref<1x1x128x128xf32, #tpu.memory_space<hbm>> -> memref<128x128xf32, #tpu.memory_space<hbm>>
    %dma_start3A_69 = arith.constant 0 : i32
    %dma_start3A_70 = arith.constant 0 : i32
    %dma_start3A_71 = tpu.memref_slice %arg4[%add3A, %dma_start3A_60, %dma_start3A_69, %dma_start3A_70] : memref<32x200x128x128xf32, #tpu.memory_space<hbm>> -> memref<1x1x128x128xf32, #tpu.memory_space<hbm>>
    %dma_start3A_72 = tpu.memref_squeeze %dma_start3A_71 : memref<1x1x128x128xf32, #tpu.memory_space<hbm>> -> memref<128x128xf32, #tpu.memory_space<hbm>>
    %dma_start3A_73 = arith.constant 0 : i32
    %dma_start3A_74 = arith.constant 0 : i32
    %dma_start3A_75 = tpu.memref_slice %arg6[%dma_start3A_59, %dma_start3A_73, %dma_start3A_74] : memref<5x128x128xf32, #tpu.memory_space<vmem>> -> memref<1x128x128xf32, #tpu.memory_space<vmem>>
    %dma_start3A_76 = tpu.memref_squeeze %dma_start3A_75 : memref<1x128x128xf32, #tpu.memory_space<vmem>> -> memref<128x128xf32, #tpu.memory_space<vmem>>
    tpu.enqueue_dma source(%dma_start3A_76 : memref<128x128xf32, #tpu.memory_space<vmem>>) target(%dma_start3A_72 : memref<128x128xf32, #tpu.memory_space<hbm>>) target_semaphore(%arg8 : memref<!tpu.dma_semaphore, #tpu.memory_space<semaphore_mem>>)
    %dma_start3A_77 = arith.constant 4 : i32
    %dma_start3A_78 = arith.constant 4 : i32
    %dma_start3A_79 = arith.constant 0 : i32
    %dma_start3A_80 = arith.constant 0 : i32
    %dma_start3A_81 = tpu.memref_slice %arg6[%dma_start3A_78, %dma_start3A_79, %dma_start3A_80] : memref<5x128x128xf32, #tpu.memory_space<vmem>> -> memref<1x128x128xf32, #tpu.memory_space<vmem>>
    %dma_start3A_82 = tpu.memref_squeeze %dma_start3A_81 : memref<1x128x128xf32, #tpu.memory_space<vmem>> -> memref<128x128xf32, #tpu.memory_space<vmem>>
    %dma_start3A_83 = arith.constant 0 : i32
    %dma_start3A_84 = tpu.memref_slice %arg5[%dma_start3A_77, %dma_start3A_83] : memref<200x128xi32, #tpu.memory_space<vmem>> -> memref<1x128xi32, #tpu.memory_space<vmem>>
    %dma_start3A_85 = tpu.memref_squeeze %dma_start3A_84 : memref<1x128xi32, #tpu.memory_space<vmem>> -> memref<128xi32, #tpu.memory_space<vmem>>
    %dma_start3A_86 = arith.constant 0 : i32
    %dma_start3A_87 = arith.constant 0 : i32
    %dma_start3A_88 = tpu.memref_slice %arg2[%dma_start3A_86, %dma_start3A_87] : memref<65536x128xf32, #tpu.memory_space<hbm>> -> memref<65536x128xf32, #tpu.memory_space<hbm>>
    tpu.enqueue_indirect_dma source(%dma_start3A_88 : memref<65536x128xf32, #tpu.memory_space<hbm>>) target(%dma_start3A_82 : memref<128x128xf32, #tpu.memory_space<vmem>>) offsets(%dma_start3A_85 : memref<128xi32, #tpu.memory_space<vmem>>) semaphore(%arg7 : memref<!tpu.dma_semaphore, #tpu.memory_space<semaphore_mem>>)
    %dma_wait3A_89 = arith.constant 1 : i32
    %dma_wait3A_90 = arith.constant 1 : i32
    %dma_wait3A_91 = arith.constant 0 : i32
    %dma_wait3A_92 = arith.constant 0 : i32
    %dma_wait3A_93 = tpu.memref_slice %arg6[%dma_wait3A_90, %dma_wait3A_91, %dma_wait3A_92] : memref<5x128x128xf32, #tpu.memory_space<vmem>> -> memref<1x128x128xf32, #tpu.memory_space<vmem>>
    %dma_wait3A_94 = tpu.memref_squeeze %dma_wait3A_93 : memref<1x128x128xf32, #tpu.memory_space<vmem>> -> memref<128x128xf32, #tpu.memory_space<vmem>>
    %dma_wait3A_95 = arith.constant 0 : i32
    %dma_wait3A_96 = tpu.memref_slice %arg5[%dma_wait3A_89, %dma_wait3A_95] : memref<200x128xi32, #tpu.memory_space<vmem>> -> memref<1x128xi32, #tpu.memory_space<vmem>>
    %dma_wait3A_97 = tpu.memref_squeeze %dma_wait3A_96 : memref<1x128xi32, #tpu.memory_space<vmem>> -> memref<128xi32, #tpu.memory_space<vmem>>
    %dma_wait3A_98 = arith.constant 0 : i32
    %dma_wait3A_99 = arith.constant 0 : i32
    %dma_wait3A_100 = tpu.memref_slice %arg2[%dma_wait3A_98, %dma_wait3A_99] : memref<65536x128xf32, #tpu.memory_space<hbm>> -> memref<65536x128xf32, #tpu.memory_space<hbm>>
    tpu.wait_indirect_dma semaphore(%arg7 : memref<!tpu.dma_semaphore, #tpu.memory_space<semaphore_mem>>) src(%dma_wait3A_100 : memref<65536x128xf32, #tpu.memory_space<hbm>>) dst(%dma_wait3A_94 : memref<128x128xf32, #tpu.memory_space<vmem>>)
    %dma_start3A_101 = arith.constant 1 : i32
    %dma_start3A_102 = arith.constant 1 : i32
    %dma_start3A_103 = arith.constant 0 : i32
    %dma_start3A_104 = arith.constant 0 : i32
    %dma_start3A_105 = tpu.memref_slice %arg6[%dma_start3A_101, %dma_start3A_103, %dma_start3A_104] : memref<5x128x128xf32, #tpu.memory_space<vmem>> -> memref<1x128x128xf32, #tpu.memory_space<vmem>>
    %dma_start3A_106 = tpu.memref_squeeze %dma_start3A_105 : memref<1x128x128xf32, #tpu.memory_space<vmem>> -> memref<128x128xf32, #tpu.memory_space<vmem>>
    %dma_start3A_107 = arith.constant 0 : i32
    %dma_start3A_108 = arith.constant 0 : i32
    %dma_start3A_109 = tpu.memref_slice %arg4[%add3A, %dma_start3A_102, %dma_start3A_107, %dma_start3A_108] : memref<32x200x128x128xf32, #tpu.memory_space<hbm>> -> memref<1x1x128x128xf32, #tpu.memory_space<hbm>>
    %dma_start3A_110 = tpu.memref_squeeze %dma_start3A_109 : memref<1x1x128x128xf32, #tpu.memory_space<hbm>> -> memref<128x128xf32, #tpu.memory_space<hbm>>
    %dma_start3A_111 = arith.constant 0 : i32
    %dma_start3A_112 = arith.constant 0 : i32
    %dma_start3A_113 = tpu.memref_slice %arg4[%add3A, %dma_start3A_102, %dma_start3A_111, %dma_start3A_112] : memref<32x200x128x128xf32, #tpu.memory_space<hbm>> -> memref<1x1x128x128xf32, #tpu.memory_space<hbm>>
    %dma_start3A_114 = tpu.memref_squeeze %dma_start3A_113 : memref<1x1x128x128xf32, #tpu.memory_space<hbm>> -> memref<128x128xf32, #tpu.memory_space<hbm>>
    %dma_start3A_115 = arith.constant 0 : i32
    %dma_start3A_116 = arith.constant 0 : i32
    %dma_start3A_117 = tpu.memref_slice %arg6[%dma_start3A_101, %dma_start3A_115, %dma_start3A_116] : memref<5x128x128xf32, #tpu.memory_space<vmem>> -> memref<1x128x128xf32, #tpu.memory_space<vmem>>
    %dma_start3A_118 = tpu.memref_squeeze %dma_start3A_117 : memref<1x128x128xf32, #tpu.memory_space<vmem>> -> memref<128x128xf32, #tpu.memory_space<vmem>>
    tpu.enqueue_dma source(%dma_start3A_118 : memref<128x128xf32, #tpu.memory_space<vmem>>) target(%dma_start3A_114 : memref<128x128xf32, #tpu.memory_space<hbm>>) target_semaphore(%arg8 : memref<!tpu.dma_semaphore, #tpu.memory_space<semaphore_mem>>)
    %dma_wait3A_119 = arith.constant 0 : i32
    %dma_wait3A_120 = arith.constant 0 : i32
    %dma_wait3A_121 = arith.constant 0 : i32
    %dma_wait3A_122 = arith.constant 0 : i32
    %dma_wait3A_123 = tpu.memref_slice %arg6[%dma_wait3A_119, %dma_wait3A_121, %dma_wait3A_122] : memref<5x128x128xf32, #tpu.memory_space<vmem>> -> memref<1x128x128xf32, #tpu.memory_space<vmem>>
    %dma_wait3A_124 = tpu.memref_squeeze %dma_wait3A_123 : memref<1x128x128xf32, #tpu.memory_space<vmem>> -> memref<128x128xf32, #tpu.memory_space<vmem>>
    %dma_wait3A_125 = arith.constant 0 : i32
    %dma_wait3A_126 = arith.constant 0 : i32
    %dma_wait3A_127 = tpu.memref_slice %arg4[%add3A, %dma_wait3A_120, %dma_wait3A_125, %dma_wait3A_126] : memref<32x200x128x128xf32, #tpu.memory_space<hbm>> -> memref<1x1x128x128xf32, #tpu.memory_space<hbm>>
    %dma_wait3A_128 = tpu.memref_squeeze %dma_wait3A_127 : memref<1x1x128x128xf32, #tpu.memory_space<hbm>> -> memref<128x128xf32, #tpu.memory_space<hbm>>
    %dma_wait3A_129 = arith.constant 0 : i32
    %dma_wait3A_130 = arith.constant 0 : i32
    %dma_wait3A_131 = tpu.memref_slice %arg4[%add3A, %dma_wait3A_120, %dma_wait3A_129, %dma_wait3A_130] : memref<32x200x128x128xf32, #tpu.memory_space<hbm>> -> memref<1x1x128x128xf32, #tpu.memory_space<hbm>>
    %dma_wait3A_132 = tpu.memref_squeeze %dma_wait3A_131 : memref<1x1x128x128xf32, #tpu.memory_space<hbm>> -> memref<128x128xf32, #tpu.memory_space<hbm>>
    %dma_wait3A_133 = arith.constant 0 : i32
    %dma_wait3A_134 = arith.constant 0 : i32
    %dma_wait3A_135 = tpu.memref_slice %arg6[%dma_wait3A_119, %dma_wait3A_133, %dma_wait3A_134] : memref<5x128x128xf32, #tpu.memory_space<vmem>> -> memref<1x128x128xf32, #tpu.memory_space<vmem>>
    %dma_wait3A_136 = tpu.memref_squeeze %dma_wait3A_135 : memref<1x128x128xf32, #tpu.memory_space<vmem>> -> memref<128x128xf32, #tpu.memory_space<vmem>>
    tpu.wait_dma2 semaphore(%arg8 : memref<!tpu.dma_semaphore, #tpu.memory_space<semaphore_mem>>) src(%dma_wait3A_136 : memref<128x128xf32, #tpu.memory_space<vmem>>) dst(%dma_wait3A_132 : memref<128x128xf32, #tpu.memory_space<hbm>>)
    %dma_start3A_137 = arith.constant 5 : i32
    %dma_start3A_138 = arith.constant 0 : i32
    %dma_start3A_139 = arith.constant 0 : i32
    %dma_start3A_140 = arith.constant 0 : i32
    %dma_start3A_141 = tpu.memref_slice %arg6[%dma_start3A_138, %dma_start3A_139, %dma_start3A_140] : memref<5x128x128xf32, #tpu.memory_space<vmem>> -> memref<1x128x128xf32, #tpu.memory_space<vmem>>
    %dma_start3A_142 = tpu.memref_squeeze %dma_start3A_141 : memref<1x128x128xf32, #tpu.memory_space<vmem>> -> memref<128x128xf32, #tpu.memory_space<vmem>>
    %dma_start3A_143 = arith.constant 0 : i32
    %dma_start3A_144 = tpu.memref_slice %arg5[%dma_start3A_137, %dma_start3A_143] : memref<200x128xi32, #tpu.memory_space<vmem>> -> memref<1x128xi32, #tpu.memory_space<vmem>>
    %dma_start3A_145 = tpu.memref_squeeze %dma_start3A_144 : memref<1x128xi32, #tpu.memory_space<vmem>> -> memref<128xi32, #tpu.memory_space<vmem>>
    %dma_start3A_146 = arith.constant 0 : i32
    %dma_start3A_147 = arith.constant 0 : i32
    %dma_start3A_148 = tpu.memref_slice %arg2[%dma_start3A_146, %dma_start3A_147] : memref<65536x128xf32, #tpu.memory_space<hbm>> -> memref<65536x128xf32, #tpu.memory_space<hbm>>
    tpu.enqueue_indirect_dma source(%dma_start3A_148 : memref<65536x128xf32, #tpu.memory_space<hbm>>) target(%dma_start3A_142 : memref<128x128xf32, #tpu.memory_space<vmem>>) offsets(%dma_start3A_145 : memref<128xi32, #tpu.memory_space<vmem>>) semaphore(%arg7 : memref<!tpu.dma_semaphore, #tpu.memory_space<semaphore_mem>>)
    %dma_wait3A_149 = arith.constant 2 : i32
    %dma_wait3A_150 = arith.constant 2 : i32
    %dma_wait3A_151 = arith.constant 0 : i32
    %dma_wait3A_152 = arith.constant 0 : i32
    %dma_wait3A_153 = tpu.memref_slice %arg6[%dma_wait3A_150, %dma_wait3A_151, %dma_wait3A_152] : memref<5x128x128xf32, #tpu.memory_space<vmem>> -> memref<1x128x128xf32, #tpu.memory_space<vmem>>
    %dma_wait3A_154 = tpu.memref_squeeze %dma_wait3A_153 : memref<1x128x128xf32, #tpu.memory_space<vmem>> -> memref<128x128xf32, #tpu.memory_space<vmem>>
    %dma_wait3A_155 = arith.constant 0 : i32
    %dma_wait3A_156 = tpu.memref_slice %arg5[%dma_wait3A_149, %dma_wait3A_155] : memref<200x128xi32, #tpu.memory_space<vmem>> -> memref<1x128xi32, #tpu.memory_space<vmem>>
    %dma_wait3A_157 = tpu.memref_squeeze %dma_wait3A_156 : memref<1x128xi32, #tpu.memory_space<vmem>> -> memref<128xi32, #tpu.memory_space<vmem>>
    %dma_wait3A_158 = arith.constant 0 : i32
    %dma_wait3A_159 = arith.constant 0 : i32
    %dma_wait3A_160 = tpu.memref_slice %arg2[%dma_wait3A_158, %dma_wait3A_159] : memref<65536x128xf32, #tpu.memory_space<hbm>> -> memref<65536x128xf32, #tpu.memory_space<hbm>>
    tpu.wait_indirect_dma semaphore(%arg7 : memref<!tpu.dma_semaphore, #tpu.memory_space<semaphore_mem>>) src(%dma_wait3A_160 : memref<65536x128xf32, #tpu.memory_space<hbm>>) dst(%dma_wait3A_154 : memref<128x128xf32, #tpu.memory_space<vmem>>)
    %dma_start3A_161 = arith.constant 2 : i32
    %dma_start3A_162 = arith.constant 2 : i32
    %dma_start3A_163 = arith.constant 0 : i32
    %dma_start3A_164 = arith.constant 0 : i32
    %dma_start3A_165 = tpu.memref_slice %arg6[%dma_start3A_161, %dma_start3A_163, %dma_start3A_164] : memref<5x128x128xf32, #tpu.memory_space<vmem>> -> memref<1x128x128xf32, #tpu.memory_space<vmem>>
    %dma_start3A_166 = tpu.memref_squeeze %dma_start3A_165 : memref<1x128x128xf32, #tpu.memory_space<vmem>> -> memref<128x128xf32, #tpu.memory_space<vmem>>
    %dma_start3A_167 = arith.constant 0 : i32
    %dma_start3A_168 = arith.constant 0 : i32
    %dma_start3A_169 = tpu.memref_slice %arg4[%add3A, %dma_start3A_162, %dma_start3A_167, %dma_start3A_168] : memref<32x200x128x128xf32, #tpu.memory_space<hbm>> -> memref<1x1x128x128xf32, #tpu.memory_space<hbm>>
    %dma_start3A_170 = tpu.memref_squeeze %dma_start3A_169 : memref<1x1x128x128xf32, #tpu.memory_space<hbm>> -> memref<128x128xf32, #tpu.memory_space<hbm>>
    %dma_start3A_171 = arith.constant 0 : i32
    %dma_start3A_172 = arith.constant 0 : i32
    %dma_start3A_173 = tpu.memref_slice %arg4[%add3A, %dma_start3A_162, %dma_start3A_171, %dma_start3A_172] : memref<32x200x128x128xf32, #tpu.memory_space<hbm>> -> memref<1x1x128x128xf32, #tpu.memory_space<hbm>>
    %dma_start3A_174 = tpu.memref_squeeze %dma_start3A_173 : memref<1x1x128x128xf32, #tpu.memory_space<hbm>> -> memref<128x128xf32, #tpu.memory_space<hbm>>
    %dma_start3A_175 = arith.constant 0 : i32
    %dma_start3A_176 = arith.constant 0 : i32
    %dma_start3A_177 = tpu.memref_slice %arg6[%dma_start3A_161, %dma_start3A_175, %dma_start3A_176] : memref<5x128x128xf32, #tpu.memory_space<vmem>> -> memref<1x128x128xf32, #tpu.memory_space<vmem>>
    %dma_start3A_178 = tpu.memref_squeeze %dma_start3A_177 : memref<1x128x128xf32, #tpu.memory_space<vmem>> -> memref<128x128xf32, #tpu.memory_space<vmem>>
    tpu.enqueue_dma source(%dma_start3A_178 : memref<128x128xf32, #tpu.memory_space<vmem>>) target(%dma_start3A_174 : memref<128x128xf32, #tpu.memory_space<hbm>>) target_semaphore(%arg8 : memref<!tpu.dma_semaphore, #tpu.memory_space<semaphore_mem>>)
    %dma_wait3A_179 = arith.constant 1 : i32
    %dma_wait3A_180 = arith.constant 1 : i32
    %dma_wait3A_181 = arith.constant 0 : i32
    %dma_wait3A_182 = arith.constant 0 : i32
    %dma_wait3A_183 = tpu.memref_slice %arg6[%dma_wait3A_179, %dma_wait3A_181, %dma_wait3A_182] : memref<5x128x128xf32, #tpu.memory_space<vmem>> -> memref<1x128x128xf32, #tpu.memory_space<vmem>>
    %dma_wait3A_184 = tpu.memref_squeeze %dma_wait3A_183 : memref<1x128x128xf32, #tpu.memory_space<vmem>> -> memref<128x128xf32, #tpu.memory_space<vmem>>
    %dma_wait3A_185 = arith.constant 0 : i32
    %dma_wait3A_186 = arith.constant 0 : i32
    %dma_wait3A_187 = tpu.memref_slice %arg4[%add3A, %dma_wait3A_180, %dma_wait3A_185, %dma_wait3A_186] : memref<32x200x128x128xf32, #tpu.memory_space<hbm>> -> memref<1x1x128x128xf32, #tpu.memory_space<hbm>>
    %dma_wait3A_188 = tpu.memref_squeeze %dma_wait3A_187 : memref<1x1x128x128xf32, #tpu.memory_space<hbm>> -> memref<128x128xf32, #tpu.memory_space<hbm>>
    %dma_wait3A_189 = arith.constant 0 : i32
    %dma_wait3A_190 = arith.constant 0 : i32
    %dma_wait3A_191 = tpu.memref_slice %arg4[%add3A, %dma_wait3A_180, %dma_wait3A_189, %dma_wait3A_190] : memref<32x200x128x128xf32, #tpu.memory_space<hbm>> -> memref<1x1x128x128xf32, #tpu.memory_space<hbm>>
    %dma_wait3A_192 = tpu.memref_squeeze %dma_wait3A_191 : memref<1x1x128x128xf32, #tpu.memory_space<hbm>> -> memref<128x128xf32, #tpu.memory_space<hbm>>
    %dma_wait3A_193 = arith.constant 0 : i32
    %dma_wait3A_194 = arith.constant 0 : i32
    %dma_wait3A_195 = tpu.memref_slice %arg6[%dma_wait3A_179, %dma_wait3A_193, %dma_wait3A_194] : memref<5x128x128xf32, #tpu.memory_space<vmem>> -> memref<1x128x128xf32, #tpu.memory_space<vmem>>
    %dma_wait3A_196 = tpu.memref_squeeze %dma_wait3A_195 : memref<1x128x128xf32, #tpu.memory_space<vmem>> -> memref<128x128xf32, #tpu.memory_space<vmem>>
    tpu.wait_dma2 semaphore(%arg8 : memref<!tpu.dma_semaphore, #tpu.memory_space<semaphore_mem>>) src(%dma_wait3A_196 : memref<128x128xf32, #tpu.memory_space<vmem>>) dst(%dma_wait3A_192 : memref<128x128xf32, #tpu.memory_space<hbm>>)
    %dma_start3A_197 = arith.constant 6 : i32
    %dma_start3A_198 = arith.constant 1 : i32
    %dma_start3A_199 = arith.constant 0 : i32
    %dma_start3A_200 = arith.constant 0 : i32
    %dma_start3A_201 = tpu.memref_slice %arg6[%dma_start3A_198, %dma_start3A_199, %dma_start3A_200] : memref<5x128x128xf32, #tpu.memory_space<vmem>> -> memref<1x128x128xf32, #tpu.memory_space<vmem>>
    %dma_start3A_202 = tpu.memref_squeeze %dma_start3A_201 : memref<1x128x128xf32, #tpu.memory_space<vmem>> -> memref<128x128xf32, #tpu.memory_space<vmem>>
    %dma_start3A_203 = arith.constant 0 : i32
    %dma_start3A_204 = tpu.memref_slice %arg5[%dma_start3A_197, %dma_start3A_203] : memref<200x128xi32, #tpu.memory_space<vmem>> -> memref<1x128xi32, #tpu.memory_space<vmem>>
    %dma_start3A_205 = tpu.memref_squeeze %dma_start3A_204 : memref<1x128xi32, #tpu.memory_space<vmem>> -> memref<128xi32, #tpu.memory_space<vmem>>
    %dma_start3A_206 = arith.constant 0 : i32
    %dma_start3A_207 = arith.constant 0 : i32
    %dma_start3A_208 = tpu.memref_slice %arg2[%dma_start3A_206, %dma_start3A_207] : memref<65536x128xf32, #tpu.memory_space<hbm>> -> memref<65536x128xf32, #tpu.memory_space<hbm>>
    tpu.enqueue_indirect_dma source(%dma_start3A_208 : memref<65536x128xf32, #tpu.memory_space<hbm>>) target(%dma_start3A_202 : memref<128x128xf32, #tpu.memory_space<vmem>>) offsets(%dma_start3A_205 : memref<128xi32, #tpu.memory_space<vmem>>) semaphore(%arg7 : memref<!tpu.dma_semaphore, #tpu.memory_space<semaphore_mem>>)
    %dma_wait3A_209 = arith.constant 3 : i32
    %dma_wait3A_210 = arith.constant 3 : i32
    %dma_wait3A_211 = arith.constant 0 : i32
    %dma_wait3A_212 = arith.constant 0 : i32
    %dma_wait3A_213 = tpu.memref_slice %arg6[%dma_wait3A_210, %dma_wait3A_211, %dma_wait3A_212] : memref<5x128x128xf32, #tpu.memory_space<vmem>> -> memref<1x128x128xf32, #tpu.memory_space<vmem>>
    %dma_wait3A_214 = tpu.memref_squeeze %dma_wait3A_213 : memref<1x128x128xf32, #tpu.memory_space<vmem>> -> memref<128x128xf32, #tpu.memory_space<vmem>>
    %dma_wait3A_215 = arith.constant 0 : i32
    %dma_wait3A_216 = tpu.memref_slice %arg5[%dma_wait3A_209, %dma_wait3A_215] : memref<200x128xi32, #tpu.memory_space<vmem>> -> memref<1x128xi32, #tpu.memory_space<vmem>>
    %dma_wait3A_217 = tpu.memref_squeeze %dma_wait3A_216 : memref<1x128xi32, #tpu.memory_space<vmem>> -> memref<128xi32, #tpu.memory_space<vmem>>
    %dma_wait3A_218 = arith.constant 0 : i32
    %dma_wait3A_219 = arith.constant 0 : i32
    %dma_wait3A_220 = tpu.memref_slice %arg2[%dma_wait3A_218, %dma_wait3A_219] : memref<65536x128xf32, #tpu.memory_space<hbm>> -> memref<65536x128xf32, #tpu.memory_space<hbm>>
    tpu.wait_indirect_dma semaphore(%arg7 : memref<!tpu.dma_semaphore, #tpu.memory_space<semaphore_mem>>) src(%dma_wait3A_220 : memref<65536x128xf32, #tpu.memory_space<hbm>>) dst(%dma_wait3A_214 : memref<128x128xf32, #tpu.memory_space<vmem>>)
    %dma_start3A_221 = arith.constant 3 : i32
    %dma_start3A_222 = arith.constant 3 : i32
    %dma_start3A_223 = arith.constant 0 : i32
    %dma_start3A_224 = arith.constant 0 : i32
    %dma_start3A_225 = tpu.memref_slice %arg6[%dma_start3A_221, %dma_start3A_223, %dma_start3A_224] : memref<5x128x128xf32, #tpu.memory_space<vmem>> -> memref<1x128x128xf32, #tpu.memory_space<vmem>>
    %dma_start3A_226 = tpu.memref_squeeze %dma_start3A_225 : memref<1x128x128xf32, #tpu.memory_space<vmem>> -> memref<128x128xf32, #tpu.memory_space<vmem>>
    %dma_start3A_227 = arith.constant 0 : i32
    %dma_start3A_228 = arith.constant 0 : i32
    %dma_start3A_229 = tpu.memref_slice %arg4[%add3A, %dma_start3A_222, %dma_start3A_227, %dma_start3A_228] : memref<32x200x128x128xf32, #tpu.memory_space<hbm>> -> memref<1x1x128x128xf32, #tpu.memory_space<hbm>>
    %dma_start3A_230 = tpu.memref_squeeze %dma_start3A_229 : memref<1x1x128x128xf32, #tpu.memory_space<hbm>> -> memref<128x128xf32, #tpu.memory_space<hbm>>
    %dma_start3A_231 = arith.constant 0 : i32
    %dma_start3A_232 = arith.constant 0 : i32
    %dma_start3A_233 = tpu.memref_slice %arg4[%add3A, %dma_start3A_222, %dma_start3A_231, %dma_start3A_232] : memref<32x200x128x128xf32, #tpu.memory_space<hbm>> -> memref<1x1x128x128xf32, #tpu.memory_space<hbm>>
    %dma_start3A_234 = tpu.memref_squeeze %dma_start3A_233 : memref<1x1x128x128xf32, #tpu.memory_space<hbm>> -> memref<128x128xf32, #tpu.memory_space<hbm>>
    %dma_start3A_235 = arith.constant 0 : i32
    %dma_start3A_236 = arith.constant 0 : i32
    %dma_start3A_237 = tpu.memref_slice %arg6[%dma_start3A_221, %dma_start3A_235, %dma_start3A_236] : memref<5x128x128xf32, #tpu.memory_space<vmem>> -> memref<1x128x128xf32, #tpu.memory_space<vmem>>
    %dma_start3A_238 = tpu.memref_squeeze %dma_start3A_237 : memref<1x128x128xf32, #tpu.memory_space<vmem>> -> memref<128x128xf32, #tpu.memory_space<vmem>>
    tpu.enqueue_dma source(%dma_start3A_238 : memref<128x128xf32, #tpu.memory_space<vmem>>) target(%dma_start3A_234 : memref<128x128xf32, #tpu.memory_space<hbm>>) target_semaphore(%arg8 : memref<!tpu.dma_semaphore, #tpu.memory_space<semaphore_mem>>)
    %dma_wait3A_239 = arith.constant 2 : i32
    %dma_wait3A_240 = arith.constant 2 : i32
    %dma_wait3A_241 = arith.constant 0 : i32
    %dma_wait3A_242 = arith.constant 0 : i32
    %dma_wait3A_243 = tpu.memref_slice %arg6[%dma_wait3A_239, %dma_wait3A_241, %dma_wait3A_242] : memref<5x128x128xf32, #tpu.memory_space<vmem>> -> memref<1x128x128xf32, #tpu.memory_space<vmem>>
    %dma_wait3A_244 = tpu.memref_squeeze %dma_wait3A_243 : memref<1x128x128xf32, #tpu.memory_space<vmem>> -> memref<128x128xf32, #tpu.memory_space<vmem>>
    %dma_wait3A_245 = arith.constant 0 : i32
    %dma_wait3A_246 = arith.constant 0 : i32
    %dma_wait3A_247 = tpu.memref_slice %arg4[%add3A, %dma_wait3A_240, %dma_wait3A_245, %dma_wait3A_246] : memref<32x200x128x128xf32, #tpu.memory_space<hbm>> -> memref<1x1x128x128xf32, #tpu.memory_space<hbm>>
    %dma_wait3A_248 = tpu.memref_squeeze %dma_wait3A_247 : memref<1x1x128x128xf32, #tpu.memory_space<hbm>> -> memref<128x128xf32, #tpu.memory_space<hbm>>
    %dma_wait3A_249 = arith.constant 0 : i32
    %dma_wait3A_250 = arith.constant 0 : i32
    %dma_wait3A_251 = tpu.memref_slice %arg4[%add3A, %dma_wait3A_240, %dma_wait3A_249, %dma_wait3A_250] : memref<32x200x128x128xf32, #tpu.memory_space<hbm>> -> memref<1x1x128x128xf32, #tpu.memory_space<hbm>>
    %dma_wait3A_252 = tpu.memref_squeeze %dma_wait3A_251 : memref<1x1x128x128xf32, #tpu.memory_space<hbm>> -> memref<128x128xf32, #tpu.memory_space<hbm>>
    %dma_wait3A_253 = arith.constant 0 : i32
    %dma_wait3A_254 = arith.constant 0 : i32
    %dma_wait3A_255 = tpu.memref_slice %arg6[%dma_wait3A_239, %dma_wait3A_253, %dma_wait3A_254] : memref<5x128x128xf32, #tpu.memory_space<vmem>> -> memref<1x128x128xf32, #tpu.memory_space<vmem>>
    %dma_wait3A_256 = tpu.memref_squeeze %dma_wait3A_255 : memref<1x128x128xf32, #tpu.memory_space<vmem>> -> memref<128x128xf32, #tpu.memory_space<vmem>>
    tpu.wait_dma2 semaphore(%arg8 : memref<!tpu.dma_semaphore, #tpu.memory_space<semaphore_mem>>) src(%dma_wait3A_256 : memref<128x128xf32, #tpu.memory_space<vmem>>) dst(%dma_wait3A_252 : memref<128x128xf32, #tpu.memory_space<hbm>>)
    %dma_start3A_257 = arith.constant 7 : i32
    %dma_start3A_258 = arith.constant 2 : i32
    %dma_start3A_259 = arith.constant 0 : i32
    %dma_start3A_260 = arith.constant 0 : i32
    %dma_start3A_261 = tpu.memref_slice %arg6[%dma_start3A_258, %dma_start3A_259, %dma_start3A_260] : memref<5x128x128xf32, #tpu.memory_space<vmem>> -> memref<1x128x128xf32, #tpu.memory_space<vmem>>
    %dma_start3A_262 = tpu.memref_squeeze %dma_start3A_261 : memref<1x128x128xf32, #tpu.memory_space<vmem>> -> memref<128x128xf32, #tpu.memory_space<vmem>>
    %dma_start3A_263 = arith.constant 0 : i32
    %dma_start3A_264 = tpu.memref_slice %arg5[%dma_start3A_257, %dma_start3A_263] : memref<200x128xi32, #tpu.memory_space<vmem>> -> memref<1x128xi32, #tpu.memory_space<vmem>>
    %dma_start3A_265 = tpu.memref_squeeze %dma_start3A_264 : memref<1x128xi32, #tpu.memory_space<vmem>> -> memref<128xi32, #tpu.memory_space<vmem>>
    %dma_start3A_266 = arith.constant 0 : i32
    %dma_start3A_267 = arith.constant 0 : i32
    %dma_start3A_268 = tpu.memref_slice %arg2[%dma_start3A_266, %dma_start3A_267] : memref<65536x128xf32, #tpu.memory_space<hbm>> -> memref<65536x128xf32, #tpu.memory_space<hbm>>
    tpu.enqueue_indirect_dma source(%dma_start3A_268 : memref<65536x128xf32, #tpu.memory_space<hbm>>) target(%dma_start3A_262 : memref<128x128xf32, #tpu.memory_space<vmem>>) offsets(%dma_start3A_265 : memref<128xi32, #tpu.memory_space<vmem>>) semaphore(%arg7 : memref<!tpu.dma_semaphore, #tpu.memory_space<semaphore_mem>>)
    %dma_wait3A_269 = arith.constant 4 : i32
    %dma_wait3A_270 = arith.constant 4 : i32
    %dma_wait3A_271 = arith.constant 0 : i32
    %dma_wait3A_272 = arith.constant 0 : i32
    %dma_wait3A_273 = tpu.memref_slice %arg6[%dma_wait3A_270, %dma_wait3A_271, %dma_wait3A_272] : memref<5x128x128xf32, #tpu.memory_space<vmem>> -> memref<1x128x128xf32, #tpu.memory_space<vmem>>
    %dma_wait3A_274 = tpu.memref_squeeze %dma_wait3A_273 : memref<1x128x128xf32, #tpu.memory_space<vmem>> -> memref<128x128xf32, #tpu.memory_space<vmem>>
    %dma_wait3A_275 = arith.constant 0 : i32
    %dma_wait3A_276 = tpu.memref_slice %arg5[%dma_wait3A_269, %dma_wait3A_275] : memref<200x128xi32, #tpu.memory_space<vmem>> -> memref<1x128xi32, #tpu.memory_space<vmem>>
    %dma_wait3A_277 = tpu.memref_squeeze %dma_wait3A_276 : memref<1x128xi32, #tpu.memory_space<vmem>> -> memref<128xi32, #tpu.memory_space<vmem>>
    %dma_wait3A_278 = arith.constant 0 : i32
    %dma_wait3A_279 = arith.constant 0 : i32
    %dma_wait3A_280 = tpu.memref_slice %arg2[%dma_wait3A_278, %dma_wait3A_279] : memref<65536x128xf32, #tpu.memory_space<hbm>> -> memref<65536x128xf32, #tpu.memory_space<hbm>>
    tpu.wait_indirect_dma semaphore(%arg7 : memref<!tpu.dma_semaphore, #tpu.memory_space<semaphore_mem>>) src(%dma_wait3A_280 : memref<65536x128xf32, #tpu.memory_space<hbm>>) dst(%dma_wait3A_274 : memref<128x128xf32, #tpu.memory_space<vmem>>)
    %dma_start3A_281 = arith.constant 4 : i32
    %dma_start3A_282 = arith.constant 4 : i32
    %dma_start3A_283 = arith.constant 0 : i32
    %dma_start3A_284 = arith.constant 0 : i32
    %dma_start3A_285 = tpu.memref_slice %arg6[%dma_start3A_281, %dma_start3A_283, %dma_start3A_284] : memref<5x128x128xf32, #tpu.memory_space<vmem>> -> memref<1x128x128xf32, #tpu.memory_space<vmem>>
    %dma_start3A_286 = tpu.memref_squeeze %dma_start3A_285 : memref<1x128x128xf32, #tpu.memory_space<vmem>> -> memref<128x128xf32, #tpu.memory_space<vmem>>
    %dma_start3A_287 = arith.constant 0 : i32
    %dma_start3A_288 = arith.constant 0 : i32
    %dma_start3A_289 = tpu.memref_slice %arg4[%add3A, %dma_start3A_282, %dma_start3A_287, %dma_start3A_288] : memref<32x200x128x128xf32, #tpu.memory_space<hbm>> -> memref<1x1x128x128xf32, #tpu.memory_space<hbm>>
    %dma_start3A_290 = tpu.memref_squeeze %dma_start3A_289 : memref<1x1x128x128xf32, #tpu.memory_space<hbm>> -> memref<128x128xf32, #tpu.memory_space<hbm>>
    %dma_start3A_291 = arith.constant 0 : i32
    %dma_start3A_292 = arith.constant 0 : i32
    %dma_start3A_293 = tpu.memref_slice %arg4[%add3A, %dma_start3A_282, %dma_start3A_291, %dma_start3A_292] : memref<32x200x128x128xf32, #tpu.memory_space<hbm>> -> memref<1x1x128x128xf32, #tpu.memory_space<hbm>>
    %dma_start3A_294 = tpu.memref_squeeze %dma_start3A_293 : memref<1x1x128x128xf32, #tpu.memory_space<hbm>> -> memref<128x128xf32, #tpu.memory_space<hbm>>
    %dma_start3A_295 = arith.constant 0 : i32
    %dma_start3A_296 = arith.constant 0 : i32
    %dma_start3A_297 = tpu.memref_slice %arg6[%dma_start3A_281, %dma_start3A_295, %dma_start3A_296] : memref<5x128x128xf32, #tpu.memory_space<vmem>> -> memref<1x128x128xf32, #tpu.memory_space<vmem>>
    %dma_start3A_298 = tpu.memref_squeeze %dma_start3A_297 : memref<1x128x128xf32, #tpu.memory_space<vmem>> -> memref<128x128xf32, #tpu.memory_space<vmem>>
    tpu.enqueue_dma source(%dma_start3A_298 : memref<128x128xf32, #tpu.memory_space<vmem>>) target(%dma_start3A_294 : memref<128x128xf32, #tpu.memory_space<hbm>>) target_semaphore(%arg8 : memref<!tpu.dma_semaphore, #tpu.memory_space<semaphore_mem>>)
    %dma_wait3A_299 = arith.constant 3 : i32
    %dma_wait3A_300 = arith.constant 3 : i32
    %dma_wait3A_301 = arith.constant 0 : i32
    %dma_wait3A_302 = arith.constant 0 : i32
    %dma_wait3A_303 = tpu.memref_slice %arg6[%dma_wait3A_299, %dma_wait3A_301, %dma_wait3A_302] : memref<5x128x128xf32, #tpu.memory_space<vmem>> -> memref<1x128x128xf32, #tpu.memory_space<vmem>>
    %dma_wait3A_304 = tpu.memref_squeeze %dma_wait3A_303 : memref<1x128x128xf32, #tpu.memory_space<vmem>> -> memref<128x128xf32, #tpu.memory_space<vmem>>
    %dma_wait3A_305 = arith.constant 0 : i32
    %dma_wait3A_306 = arith.constant 0 : i32
    %dma_wait3A_307 = tpu.memref_slice %arg4[%add3A, %dma_wait3A_300, %dma_wait3A_305, %dma_wait3A_306] : memref<32x200x128x128xf32, #tpu.memory_space<hbm>> -> memref<1x1x128x128xf32, #tpu.memory_space<hbm>>
    %dma_wait3A_308 = tpu.memref_squeeze %dma_wait3A_307 : memref<1x1x128x128xf32, #tpu.memory_space<hbm>> -> memref<128x128xf32, #tpu.memory_space<hbm>>
    %dma_wait3A_309 = arith.constant 0 : i32
    %dma_wait3A_310 = arith.constant 0 : i32
    %dma_wait3A_311 = tpu.memref_slice %arg4[%add3A, %dma_wait3A_300, %dma_wait3A_309, %dma_wait3A_310] : memref<32x200x128x128xf32, #tpu.memory_space<hbm>> -> memref<1x1x128x128xf32, #tpu.memory_space<hbm>>
    %dma_wait3A_312 = tpu.memref_squeeze %dma_wait3A_311 : memref<1x1x128x128xf32, #tpu.memory_space<hbm>> -> memref<128x128xf32, #tpu.memory_space<hbm>>
    %dma_wait3A_313 = arith.constant 0 : i32
    %dma_wait3A_314 = arith.constant 0 : i32
    %dma_wait3A_315 = tpu.memref_slice %arg6[%dma_wait3A_299, %dma_wait3A_313, %dma_wait3A_314] : memref<5x128x128xf32, #tpu.memory_space<vmem>> -> memref<1x128x128xf32, #tpu.memory_space<vmem>>
    %dma_wait3A_316 = tpu.memref_squeeze %dma_wait3A_315 : memref<1x128x128xf32, #tpu.memory_space<vmem>> -> memref<128x128xf32, #tpu.memory_space<vmem>>
    tpu.wait_dma2 semaphore(%arg8 : memref<!tpu.dma_semaphore, #tpu.memory_space<semaphore_mem>>) src(%dma_wait3A_316 : memref<128x128xf32, #tpu.memory_space<vmem>>) dst(%dma_wait3A_312 : memref<128x128xf32, #tpu.memory_space<hbm>>)
    %dma_start3A_317 = arith.constant 8 : i32
    %dma_start3A_318 = arith.constant 3 : i32
    %dma_start3A_319 = arith.constant 0 : i32
    %dma_start3A_320 = arith.constant 0 : i32
    %dma_start3A_321 = tpu.memref_slice %arg6[%dma_start3A_318, %dma_start3A_319, %dma_start3A_320] : memref<5x128x128xf32, #tpu.memory_space<vmem>> -> memref<1x128x128xf32, #tpu.memory_space<vmem>>
    %dma_start3A_322 = tpu.memref_squeeze %dma_start3A_321 : memref<1x128x128xf32, #tpu.memory_space<vmem>> -> memref<128x128xf32, #tpu.memory_space<vmem>>
    %dma_start3A_323 = arith.constant 0 : i32
    %dma_start3A_324 = tpu.memref_slice %arg5[%dma_start3A_317, %dma_start3A_323] : memref<200x128xi32, #tpu.memory_space<vmem>> -> memref<1x128xi32, #tpu.memory_space<vmem>>
    %dma_start3A_325 = tpu.memref_squeeze %dma_start3A_324 : memref<1x128xi32, #tpu.memory_space<vmem>> -> memref<128xi32, #tpu.memory_space<vmem>>
    %dma_start3A_326 = arith.constant 0 : i32
    %dma_start3A_327 = arith.constant 0 : i32
    %dma_start3A_328 = tpu.memref_slice %arg2[%dma_start3A_326, %dma_start3A_327] : memref<65536x128xf32, #tpu.memory_space<hbm>> -> memref<65536x128xf32, #tpu.memory_space<hbm>>
    tpu.enqueue_indirect_dma source(%dma_start3A_328 : memref<65536x128xf32, #tpu.memory_space<hbm>>) target(%dma_start3A_322 : memref<128x128xf32, #tpu.memory_space<vmem>>) offsets(%dma_start3A_325 : memref<128xi32, #tpu.memory_space<vmem>>) semaphore(%arg7 : memref<!tpu.dma_semaphore, #tpu.memory_space<semaphore_mem>>)
    %scan3A = arith.constant 0 : i32
    %scan3A_329 = arith.constant 1 : i32
    %scan3A_330 = arith.constant 38 : i32
    %scan3A_331 = arith.addi %scan3A_329, %scan3A_330 : i32
    %scan3A_332 = arith.constant 1 : i32
    scf.for %scan3A_604 = %scan3A_329 to %scan3A_331 step %scan3A_332  : i32 {
      %mul3A_605 = arith.constant 5 : i32
      %mul3A_606 = arith.muli %scan3A_604, %mul3A_605 : i32
      %add3A_607 = arith.constant 0 : i32
      %add3A_608 = arith.addi %mul3A_606, %add3A_607 : i32
      %dma_wait3A_609 = arith.constant 0 : i32
      %dma_wait3A_610 = arith.constant 0 : i32
      %dma_wait3A_611 = arith.constant 0 : i32
      %dma_wait3A_612 = tpu.memref_slice %arg6[%dma_wait3A_609, %dma_wait3A_610, %dma_wait3A_611] : memref<5x128x128xf32, #tpu.memory_space<vmem>> -> memref<1x128x128xf32, #tpu.memory_space<vmem>>
      %dma_wait3A_613 = tpu.memref_squeeze %dma_wait3A_612 : memref<1x128x128xf32, #tpu.memory_space<vmem>> -> memref<128x128xf32, #tpu.memory_space<vmem>>
      %dma_wait3A_614 = arith.constant 0 : i32
      %dma_wait3A_615 = tpu.memref_slice %arg5[%add3A_608, %dma_wait3A_614] : memref<200x128xi32, #tpu.memory_space<vmem>> -> memref<1x128xi32, #tpu.memory_space<vmem>>
      %dma_wait3A_616 = tpu.memref_squeeze %dma_wait3A_615 : memref<1x128xi32, #tpu.memory_space<vmem>> -> memref<128xi32, #tpu.memory_space<vmem>>
      %dma_wait3A_617 = arith.constant 0 : i32
      %dma_wait3A_618 = arith.constant 0 : i32
      %dma_wait3A_619 = tpu.memref_slice %arg2[%dma_wait3A_617, %dma_wait3A_618] : memref<65536x128xf32, #tpu.memory_space<hbm>> -> memref<65536x128xf32, #tpu.memory_space<hbm>>
      tpu.wait_indirect_dma semaphore(%arg7 : memref<!tpu.dma_semaphore, #tpu.memory_space<semaphore_mem>>) src(%dma_wait3A_619 : memref<65536x128xf32, #tpu.memory_space<hbm>>) dst(%dma_wait3A_613 : memref<128x128xf32, #tpu.memory_space<vmem>>)
      %dma_start3A_620 = arith.constant 0 : i32
      %dma_start3A_621 = arith.constant 0 : i32
      %dma_start3A_622 = arith.constant 0 : i32
      %dma_start3A_623 = tpu.memref_slice %arg6[%dma_start3A_620, %dma_start3A_621, %dma_start3A_622] : memref<5x128x128xf32, #tpu.memory_space<vmem>> -> memref<1x128x128xf32, #tpu.memory_space<vmem>>
      %dma_start3A_624 = tpu.memref_squeeze %dma_start3A_623 : memref<1x128x128xf32, #tpu.memory_space<vmem>> -> memref<128x128xf32, #tpu.memory_space<vmem>>
      %dma_start3A_625 = arith.constant 0 : i32
      %dma_start3A_626 = arith.constant 0 : i32
      %dma_start3A_627 = tpu.memref_slice %arg4[%add3A, %add3A_608, %dma_start3A_625, %dma_start3A_626] : memref<32x200x128x128xf32, #tpu.memory_space<hbm>> -> memref<1x1x128x128xf32, #tpu.memory_space<hbm>>
      %dma_start3A_628 = tpu.memref_squeeze %dma_start3A_627 : memref<1x1x128x128xf32, #tpu.memory_space<hbm>> -> memref<128x128xf32, #tpu.memory_space<hbm>>
      %dma_start3A_629 = arith.constant 0 : i32
      %dma_start3A_630 = arith.constant 0 : i32
      %dma_start3A_631 = tpu.memref_slice %arg4[%add3A, %add3A_608, %dma_start3A_629, %dma_start3A_630] : memref<32x200x128x128xf32, #tpu.memory_space<hbm>> -> memref<1x1x128x128xf32, #tpu.memory_space<hbm>>
      %dma_start3A_632 = tpu.memref_squeeze %dma_start3A_631 : memref<1x1x128x128xf32, #tpu.memory_space<hbm>> -> memref<128x128xf32, #tpu.memory_space<hbm>>
      %dma_start3A_633 = arith.constant 0 : i32
      %dma_start3A_634 = arith.constant 0 : i32
      %dma_start3A_635 = tpu.memref_slice %arg6[%dma_start3A_620, %dma_start3A_633, %dma_start3A_634] : memref<5x128x128xf32, #tpu.memory_space<vmem>> -> memref<1x128x128xf32, #tpu.memory_space<vmem>>
      %dma_start3A_636 = tpu.memref_squeeze %dma_start3A_635 : memref<1x128x128xf32, #tpu.memory_space<vmem>> -> memref<128x128xf32, #tpu.memory_space<vmem>>
      tpu.enqueue_dma source(%dma_start3A_636 : memref<128x128xf32, #tpu.memory_space<vmem>>) target(%dma_start3A_632 : memref<128x128xf32, #tpu.memory_space<hbm>>) target_semaphore(%arg8 : memref<!tpu.dma_semaphore, #tpu.memory_space<semaphore_mem>>)
      %sub3A = arith.constant 1 : i32
      %sub3A_637 = arith.subi %add3A_608, %sub3A : i32
      %dma_wait3A_638 = arith.constant 4 : i32
      %dma_wait3A_639 = arith.constant 0 : i32
      %dma_wait3A_640 = arith.constant 0 : i32
      %dma_wait3A_641 = tpu.memref_slice %arg6[%dma_wait3A_638, %dma_wait3A_639, %dma_wait3A_640] : memref<5x128x128xf32, #tpu.memory_space<vmem>> -> memref<1x128x128xf32, #tpu.memory_space<vmem>>
      %dma_wait3A_642 = tpu.memref_squeeze %dma_wait3A_641 : memref<1x128x128xf32, #tpu.memory_space<vmem>> -> memref<128x128xf32, #tpu.memory_space<vmem>>
      %dma_wait3A_643 = arith.constant 0 : i32
      %dma_wait3A_644 = arith.constant 0 : i32
      %dma_wait3A_645 = tpu.memref_slice %arg4[%add3A, %sub3A_637, %dma_wait3A_643, %dma_wait3A_644] : memref<32x200x128x128xf32, #tpu.memory_space<hbm>> -> memref<1x1x128x128xf32, #tpu.memory_space<hbm>>
      %dma_wait3A_646 = tpu.memref_squeeze %dma_wait3A_645 : memref<1x1x128x128xf32, #tpu.memory_space<hbm>> -> memref<128x128xf32, #tpu.memory_space<hbm>>
      %dma_wait3A_647 = arith.constant 0 : i32
      %dma_wait3A_648 = arith.constant 0 : i32
      %dma_wait3A_649 = tpu.memref_slice %arg4[%add3A, %sub3A_637, %dma_wait3A_647, %dma_wait3A_648] : memref<32x200x128x128xf32, #tpu.memory_space<hbm>> -> memref<1x1x128x128xf32, #tpu.memory_space<hbm>>
      %dma_wait3A_650 = tpu.memref_squeeze %dma_wait3A_649 : memref<1x1x128x128xf32, #tpu.memory_space<hbm>> -> memref<128x128xf32, #tpu.memory_space<hbm>>
      %dma_wait3A_651 = arith.constant 0 : i32
      %dma_wait3A_652 = arith.constant 0 : i32
      %dma_wait3A_653 = tpu.memref_slice %arg6[%dma_wait3A_638, %dma_wait3A_651, %dma_wait3A_652] : memref<5x128x128xf32, #tpu.memory_space<vmem>> -> memref<1x128x128xf32, #tpu.memory_space<vmem>>
      %dma_wait3A_654 = tpu.memref_squeeze %dma_wait3A_653 : memref<1x128x128xf32, #tpu.memory_space<vmem>> -> memref<128x128xf32, #tpu.memory_space<vmem>>
      tpu.wait_dma2 semaphore(%arg8 : memref<!tpu.dma_semaphore, #tpu.memory_space<semaphore_mem>>) src(%dma_wait3A_654 : memref<128x128xf32, #tpu.memory_space<vmem>>) dst(%dma_wait3A_650 : memref<128x128xf32, #tpu.memory_space<hbm>>)
      %add3A_655 = arith.constant 5 : i32
      %add3A_656 = arith.addi %add3A_608, %add3A_655 : i32
      %sub3A_657 = arith.constant 1 : i32
      %sub3A_658 = arith.subi %add3A_656, %sub3A_657 : i32
      %dma_start3A_659 = arith.constant 4 : i32
      %dma_start3A_660 = arith.constant 0 : i32
      %dma_start3A_661 = arith.constant 0 : i32
      %dma_start3A_662 = tpu.memref_slice %arg6[%dma_start3A_659, %dma_start3A_660, %dma_start3A_661] : memref<5x128x128xf32, #tpu.memory_space<vmem>> -> memref<1x128x128xf32, #tpu.memory_space<vmem>>
      %dma_start3A_663 = tpu.memref_squeeze %dma_start3A_662 : memref<1x128x128xf32, #tpu.memory_space<vmem>> -> memref<128x128xf32, #tpu.memory_space<vmem>>
      %dma_start3A_664 = arith.constant 0 : i32
      %dma_start3A_665 = tpu.memref_slice %arg5[%sub3A_658, %dma_start3A_664] : memref<200x128xi32, #tpu.memory_space<vmem>> -> memref<1x128xi32, #tpu.memory_space<vmem>>
      %dma_start3A_666 = tpu.memref_squeeze %dma_start3A_665 : memref<1x128xi32, #tpu.memory_space<vmem>> -> memref<128xi32, #tpu.memory_space<vmem>>
      %dma_start3A_667 = arith.constant 0 : i32
      %dma_start3A_668 = arith.constant 0 : i32
      %dma_start3A_669 = tpu.memref_slice %arg2[%dma_start3A_667, %dma_start3A_668] : memref<65536x128xf32, #tpu.memory_space<hbm>> -> memref<65536x128xf32, #tpu.memory_space<hbm>>
      tpu.enqueue_indirect_dma source(%dma_start3A_669 : memref<65536x128xf32, #tpu.memory_space<hbm>>) target(%dma_start3A_663 : memref<128x128xf32, #tpu.memory_space<vmem>>) offsets(%dma_start3A_666 : memref<128xi32, #tpu.memory_space<vmem>>) semaphore(%arg7 : memref<!tpu.dma_semaphore, #tpu.memory_space<semaphore_mem>>)
      %add3A_670 = arith.constant 1 : i32
      %add3A_671 = arith.addi %mul3A_606, %add3A_670 : i32
      %dma_wait3A_672 = arith.constant 1 : i32
      %dma_wait3A_673 = arith.constant 0 : i32
      %dma_wait3A_674 = arith.constant 0 : i32
      %dma_wait3A_675 = tpu.memref_slice %arg6[%dma_wait3A_672, %dma_wait3A_673, %dma_wait3A_674] : memref<5x128x128xf32, #tpu.memory_space<vmem>> -> memref<1x128x128xf32, #tpu.memory_space<vmem>>
      %dma_wait3A_676 = tpu.memref_squeeze %dma_wait3A_675 : memref<1x128x128xf32, #tpu.memory_space<vmem>> -> memref<128x128xf32, #tpu.memory_space<vmem>>
      %dma_wait3A_677 = arith.constant 0 : i32
      %dma_wait3A_678 = tpu.memref_slice %arg5[%add3A_671, %dma_wait3A_677] : memref<200x128xi32, #tpu.memory_space<vmem>> -> memref<1x128xi32, #tpu.memory_space<vmem>>
      %dma_wait3A_679 = tpu.memref_squeeze %dma_wait3A_678 : memref<1x128xi32, #tpu.memory_space<vmem>> -> memref<128xi32, #tpu.memory_space<vmem>>
      %dma_wait3A_680 = arith.constant 0 : i32
      %dma_wait3A_681 = arith.constant 0 : i32
      %dma_wait3A_682 = tpu.memref_slice %arg2[%dma_wait3A_680, %dma_wait3A_681] : memref<65536x128xf32, #tpu.memory_space<hbm>> -> memref<65536x128xf32, #tpu.memory_space<hbm>>
      tpu.wait_indirect_dma semaphore(%arg7 : memref<!tpu.dma_semaphore, #tpu.memory_space<semaphore_mem>>) src(%dma_wait3A_682 : memref<65536x128xf32, #tpu.memory_space<hbm>>) dst(%dma_wait3A_676 : memref<128x128xf32, #tpu.memory_space<vmem>>)
      %dma_start3A_683 = arith.constant 1 : i32
      %dma_start3A_684 = arith.constant 0 : i32
      %dma_start3A_685 = arith.constant 0 : i32
      %dma_start3A_686 = tpu.memref_slice %arg6[%dma_start3A_683, %dma_start3A_684, %dma_start3A_685] : memref<5x128x128xf32, #tpu.memory_space<vmem>> -> memref<1x128x128xf32, #tpu.memory_space<vmem>>
      %dma_start3A_687 = tpu.memref_squeeze %dma_start3A_686 : memref<1x128x128xf32, #tpu.memory_space<vmem>> -> memref<128x128xf32, #tpu.memory_space<vmem>>
      %dma_start3A_688 = arith.constant 0 : i32
      %dma_start3A_689 = arith.constant 0 : i32
      %dma_start3A_690 = tpu.memref_slice %arg4[%add3A, %add3A_671, %dma_start3A_688, %dma_start3A_689] : memref<32x200x128x128xf32, #tpu.memory_space<hbm>> -> memref<1x1x128x128xf32, #tpu.memory_space<hbm>>
      %dma_start3A_691 = tpu.memref_squeeze %dma_start3A_690 : memref<1x1x128x128xf32, #tpu.memory_space<hbm>> -> memref<128x128xf32, #tpu.memory_space<hbm>>
      %dma_start3A_692 = arith.constant 0 : i32
      %dma_start3A_693 = arith.constant 0 : i32
      %dma_start3A_694 = tpu.memref_slice %arg4[%add3A, %add3A_671, %dma_start3A_692, %dma_start3A_693] : memref<32x200x128x128xf32, #tpu.memory_space<hbm>> -> memref<1x1x128x128xf32, #tpu.memory_space<hbm>>
      %dma_start3A_695 = tpu.memref_squeeze %dma_start3A_694 : memref<1x1x128x128xf32, #tpu.memory_space<hbm>> -> memref<128x128xf32, #tpu.memory_space<hbm>>
      %dma_start3A_696 = arith.constant 0 : i32
      %dma_start3A_697 = arith.constant 0 : i32
      %dma_start3A_698 = tpu.memref_slice %arg6[%dma_start3A_683, %dma_start3A_696, %dma_start3A_697] : memref<5x128x128xf32, #tpu.memory_space<vmem>> -> memref<1x128x128xf32, #tpu.memory_space<vmem>>
      %dma_start3A_699 = tpu.memref_squeeze %dma_start3A_698 : memref<1x128x128xf32, #tpu.memory_space<vmem>> -> memref<128x128xf32, #tpu.memory_space<vmem>>
      tpu.enqueue_dma source(%dma_start3A_699 : memref<128x128xf32, #tpu.memory_space<vmem>>) target(%dma_start3A_695 : memref<128x128xf32, #tpu.memory_space<hbm>>) target_semaphore(%arg8 : memref<!tpu.dma_semaphore, #tpu.memory_space<semaphore_mem>>)
      %sub3A_700 = arith.constant 1 : i32
      %sub3A_701 = arith.subi %add3A_671, %sub3A_700 : i32
      %dma_wait3A_702 = arith.constant 0 : i32
      %dma_wait3A_703 = arith.constant 0 : i32
      %dma_wait3A_704 = arith.constant 0 : i32
      %dma_wait3A_705 = tpu.memref_slice %arg6[%dma_wait3A_702, %dma_wait3A_703, %dma_wait3A_704] : memref<5x128x128xf32, #tpu.memory_space<vmem>> -> memref<1x128x128xf32, #tpu.memory_space<vmem>>
      %dma_wait3A_706 = tpu.memref_squeeze %dma_wait3A_705 : memref<1x128x128xf32, #tpu.memory_space<vmem>> -> memref<128x128xf32, #tpu.memory_space<vmem>>
      %dma_wait3A_707 = arith.constant 0 : i32
      %dma_wait3A_708 = arith.constant 0 : i32
      %dma_wait3A_709 = tpu.memref_slice %arg4[%add3A, %sub3A_701, %dma_wait3A_707, %dma_wait3A_708] : memref<32x200x128x128xf32, #tpu.memory_space<hbm>> -> memref<1x1x128x128xf32, #tpu.memory_space<hbm>>
      %dma_wait3A_710 = tpu.memref_squeeze %dma_wait3A_709 : memref<1x1x128x128xf32, #tpu.memory_space<hbm>> -> memref<128x128xf32, #tpu.memory_space<hbm>>
      %dma_wait3A_711 = arith.constant 0 : i32
      %dma_wait3A_712 = arith.constant 0 : i32
      %dma_wait3A_713 = tpu.memref_slice %arg4[%add3A, %sub3A_701, %dma_wait3A_711, %dma_wait3A_712] : memref<32x200x128x128xf32, #tpu.memory_space<hbm>> -> memref<1x1x128x128xf32, #tpu.memory_space<hbm>>
      %dma_wait3A_714 = tpu.memref_squeeze %dma_wait3A_713 : memref<1x1x128x128xf32, #tpu.memory_space<hbm>> -> memref<128x128xf32, #tpu.memory_space<hbm>>
      %dma_wait3A_715 = arith.constant 0 : i32
      %dma_wait3A_716 = arith.constant 0 : i32
      %dma_wait3A_717 = tpu.memref_slice %arg6[%dma_wait3A_702, %dma_wait3A_715, %dma_wait3A_716] : memref<5x128x128xf32, #tpu.memory_space<vmem>> -> memref<1x128x128xf32, #tpu.memory_space<vmem>>
      %dma_wait3A_718 = tpu.memref_squeeze %dma_wait3A_717 : memref<1x128x128xf32, #tpu.memory_space<vmem>> -> memref<128x128xf32, #tpu.memory_space<vmem>>
      tpu.wait_dma2 semaphore(%arg8 : memref<!tpu.dma_semaphore, #tpu.memory_space<semaphore_mem>>) src(%dma_wait3A_718 : memref<128x128xf32, #tpu.memory_space<vmem>>) dst(%dma_wait3A_714 : memref<128x128xf32, #tpu.memory_space<hbm>>)
      %add3A_719 = arith.constant 5 : i32
      %add3A_720 = arith.addi %add3A_671, %add3A_719 : i32
      %sub3A_721 = arith.constant 1 : i32
      %sub3A_722 = arith.subi %add3A_720, %sub3A_721 : i32
      %dma_start3A_723 = arith.constant 0 : i32
      %dma_start3A_724 = arith.constant 0 : i32
      %dma_start3A_725 = arith.constant 0 : i32
      %dma_start3A_726 = tpu.memref_slice %arg6[%dma_start3A_723, %dma_start3A_724, %dma_start3A_725] : memref<5x128x128xf32, #tpu.memory_space<vmem>> -> memref<1x128x128xf32, #tpu.memory_space<vmem>>
      %dma_start3A_727 = tpu.memref_squeeze %dma_start3A_726 : memref<1x128x128xf32, #tpu.memory_space<vmem>> -> memref<128x128xf32, #tpu.memory_space<vmem>>
      %dma_start3A_728 = arith.constant 0 : i32
      %dma_start3A_729 = tpu.memref_slice %arg5[%sub3A_722, %dma_start3A_728] : memref<200x128xi32, #tpu.memory_space<vmem>> -> memref<1x128xi32, #tpu.memory_space<vmem>>
      %dma_start3A_730 = tpu.memref_squeeze %dma_start3A_729 : memref<1x128xi32, #tpu.memory_space<vmem>> -> memref<128xi32, #tpu.memory_space<vmem>>
      %dma_start3A_731 = arith.constant 0 : i32
      %dma_start3A_732 = arith.constant 0 : i32
      %dma_start3A_733 = tpu.memref_slice %arg2[%dma_start3A_731, %dma_start3A_732] : memref<65536x128xf32, #tpu.memory_space<hbm>> -> memref<65536x128xf32, #tpu.memory_space<hbm>>
      tpu.enqueue_indirect_dma source(%dma_start3A_733 : memref<65536x128xf32, #tpu.memory_space<hbm>>) target(%dma_start3A_727 : memref<128x128xf32, #tpu.memory_space<vmem>>) offsets(%dma_start3A_730 : memref<128xi32, #tpu.memory_space<vmem>>) semaphore(%arg7 : memref<!tpu.dma_semaphore, #tpu.memory_space<semaphore_mem>>)
      %add3A_734 = arith.constant 2 : i32
      %add3A_735 = arith.addi %mul3A_606, %add3A_734 : i32
      %dma_wait3A_736 = arith.constant 2 : i32
      %dma_wait3A_737 = arith.constant 0 : i32
      %dma_wait3A_738 = arith.constant 0 : i32
      %dma_wait3A_739 = tpu.memref_slice %arg6[%dma_wait3A_736, %dma_wait3A_737, %dma_wait3A_738] : memref<5x128x128xf32, #tpu.memory_space<vmem>> -> memref<1x128x128xf32, #tpu.memory_space<vmem>>
      %dma_wait3A_740 = tpu.memref_squeeze %dma_wait3A_739 : memref<1x128x128xf32, #tpu.memory_space<vmem>> -> memref<128x128xf32, #tpu.memory_space<vmem>>
      %dma_wait3A_741 = arith.constant 0 : i32
      %dma_wait3A_742 = tpu.memref_slice %arg5[%add3A_735, %dma_wait3A_741] : memref<200x128xi32, #tpu.memory_space<vmem>> -> memref<1x128xi32, #tpu.memory_space<vmem>>
      %dma_wait3A_743 = tpu.memref_squeeze %dma_wait3A_742 : memref<1x128xi32, #tpu.memory_space<vmem>> -> memref<128xi32, #tpu.memory_space<vmem>>
      %dma_wait3A_744 = arith.constant 0 : i32
      %dma_wait3A_745 = arith.constant 0 : i32
      %dma_wait3A_746 = tpu.memref_slice %arg2[%dma_wait3A_744, %dma_wait3A_745] : memref<65536x128xf32, #tpu.memory_space<hbm>> -> memref<65536x128xf32, #tpu.memory_space<hbm>>
      tpu.wait_indirect_dma semaphore(%arg7 : memref<!tpu.dma_semaphore, #tpu.memory_space<semaphore_mem>>) src(%dma_wait3A_746 : memref<65536x128xf32, #tpu.memory_space<hbm>>) dst(%dma_wait3A_740 : memref<128x128xf32, #tpu.memory_space<vmem>>)
      %dma_start3A_747 = arith.constant 2 : i32
      %dma_start3A_748 = arith.constant 0 : i32
      %dma_start3A_749 = arith.constant 0 : i32
      %dma_start3A_750 = tpu.memref_slice %arg6[%dma_start3A_747, %dma_start3A_748, %dma_start3A_749] : memref<5x128x128xf32, #tpu.memory_space<vmem>> -> memref<1x128x128xf32, #tpu.memory_space<vmem>>
      %dma_start3A_751 = tpu.memref_squeeze %dma_start3A_750 : memref<1x128x128xf32, #tpu.memory_space<vmem>> -> memref<128x128xf32, #tpu.memory_space<vmem>>
      %dma_start3A_752 = arith.constant 0 : i32
      %dma_start3A_753 = arith.constant 0 : i32
      %dma_start3A_754 = tpu.memref_slice %arg4[%add3A, %add3A_735, %dma_start3A_752, %dma_start3A_753] : memref<32x200x128x128xf32, #tpu.memory_space<hbm>> -> memref<1x1x128x128xf32, #tpu.memory_space<hbm>>
      %dma_start3A_755 = tpu.memref_squeeze %dma_start3A_754 : memref<1x1x128x128xf32, #tpu.memory_space<hbm>> -> memref<128x128xf32, #tpu.memory_space<hbm>>
      %dma_start3A_756 = arith.constant 0 : i32
      %dma_start3A_757 = arith.constant 0 : i32
      %dma_start3A_758 = tpu.memref_slice %arg4[%add3A, %add3A_735, %dma_start3A_756, %dma_start3A_757] : memref<32x200x128x128xf32, #tpu.memory_space<hbm>> -> memref<1x1x128x128xf32, #tpu.memory_space<hbm>>
      %dma_start3A_759 = tpu.memref_squeeze %dma_start3A_758 : memref<1x1x128x128xf32, #tpu.memory_space<hbm>> -> memref<128x128xf32, #tpu.memory_space<hbm>>
      %dma_start3A_760 = arith.constant 0 : i32
      %dma_start3A_761 = arith.constant 0 : i32
      %dma_start3A_762 = tpu.memref_slice %arg6[%dma_start3A_747, %dma_start3A_760, %dma_start3A_761] : memref<5x128x128xf32, #tpu.memory_space<vmem>> -> memref<1x128x128xf32, #tpu.memory_space<vmem>>
      %dma_start3A_763 = tpu.memref_squeeze %dma_start3A_762 : memref<1x128x128xf32, #tpu.memory_space<vmem>> -> memref<128x128xf32, #tpu.memory_space<vmem>>
      tpu.enqueue_dma source(%dma_start3A_763 : memref<128x128xf32, #tpu.memory_space<vmem>>) target(%dma_start3A_759 : memref<128x128xf32, #tpu.memory_space<hbm>>) target_semaphore(%arg8 : memref<!tpu.dma_semaphore, #tpu.memory_space<semaphore_mem>>)
      %sub3A_764 = arith.constant 1 : i32
      %sub3A_765 = arith.subi %add3A_735, %sub3A_764 : i32
      %dma_wait3A_766 = arith.constant 1 : i32
      %dma_wait3A_767 = arith.constant 0 : i32
      %dma_wait3A_768 = arith.constant 0 : i32
      %dma_wait3A_769 = tpu.memref_slice %arg6[%dma_wait3A_766, %dma_wait3A_767, %dma_wait3A_768] : memref<5x128x128xf32, #tpu.memory_space<vmem>> -> memref<1x128x128xf32, #tpu.memory_space<vmem>>
      %dma_wait3A_770 = tpu.memref_squeeze %dma_wait3A_769 : memref<1x128x128xf32, #tpu.memory_space<vmem>> -> memref<128x128xf32, #tpu.memory_space<vmem>>
      %dma_wait3A_771 = arith.constant 0 : i32
      %dma_wait3A_772 = arith.constant 0 : i32
      %dma_wait3A_773 = tpu.memref_slice %arg4[%add3A, %sub3A_765, %dma_wait3A_771, %dma_wait3A_772] : memref<32x200x128x128xf32, #tpu.memory_space<hbm>> -> memref<1x1x128x128xf32, #tpu.memory_space<hbm>>
      %dma_wait3A_774 = tpu.memref_squeeze %dma_wait3A_773 : memref<1x1x128x128xf32, #tpu.memory_space<hbm>> -> memref<128x128xf32, #tpu.memory_space<hbm>>
      %dma_wait3A_775 = arith.constant 0 : i32
      %dma_wait3A_776 = arith.constant 0 : i32
      %dma_wait3A_777 = tpu.memref_slice %arg4[%add3A, %sub3A_765, %dma_wait3A_775, %dma_wait3A_776] : memref<32x200x128x128xf32, #tpu.memory_space<hbm>> -> memref<1x1x128x128xf32, #tpu.memory_space<hbm>>
      %dma_wait3A_778 = tpu.memref_squeeze %dma_wait3A_777 : memref<1x1x128x128xf32, #tpu.memory_space<hbm>> -> memref<128x128xf32, #tpu.memory_space<hbm>>
      %dma_wait3A_779 = arith.constant 0 : i32
      %dma_wait3A_780 = arith.constant 0 : i32
      %dma_wait3A_781 = tpu.memref_slice %arg6[%dma_wait3A_766, %dma_wait3A_779, %dma_wait3A_780] : memref<5x128x128xf32, #tpu.memory_space<vmem>> -> memref<1x128x128xf32, #tpu.memory_space<vmem>>
      %dma_wait3A_782 = tpu.memref_squeeze %dma_wait3A_781 : memref<1x128x128xf32, #tpu.memory_space<vmem>> -> memref<128x128xf32, #tpu.memory_space<vmem>>
      tpu.wait_dma2 semaphore(%arg8 : memref<!tpu.dma_semaphore, #tpu.memory_space<semaphore_mem>>) src(%dma_wait3A_782 : memref<128x128xf32, #tpu.memory_space<vmem>>) dst(%dma_wait3A_778 : memref<128x128xf32, #tpu.memory_space<hbm>>)
      %add3A_783 = arith.constant 5 : i32
      %add3A_784 = arith.addi %add3A_735, %add3A_783 : i32
      %sub3A_785 = arith.constant 1 : i32
      %sub3A_786 = arith.subi %add3A_784, %sub3A_785 : i32
      %dma_start3A_787 = arith.constant 1 : i32
      %dma_start3A_788 = arith.constant 0 : i32
      %dma_start3A_789 = arith.constant 0 : i32
      %dma_start3A_790 = tpu.memref_slice %arg6[%dma_start3A_787, %dma_start3A_788, %dma_start3A_789] : memref<5x128x128xf32, #tpu.memory_space<vmem>> -> memref<1x128x128xf32, #tpu.memory_space<vmem>>
      %dma_start3A_791 = tpu.memref_squeeze %dma_start3A_790 : memref<1x128x128xf32, #tpu.memory_space<vmem>> -> memref<128x128xf32, #tpu.memory_space<vmem>>
      %dma_start3A_792 = arith.constant 0 : i32
      %dma_start3A_793 = tpu.memref_slice %arg5[%sub3A_786, %dma_start3A_792] : memref<200x128xi32, #tpu.memory_space<vmem>> -> memref<1x128xi32, #tpu.memory_space<vmem>>
      %dma_start3A_794 = tpu.memref_squeeze %dma_start3A_793 : memref<1x128xi32, #tpu.memory_space<vmem>> -> memref<128xi32, #tpu.memory_space<vmem>>
      %dma_start3A_795 = arith.constant 0 : i32
      %dma_start3A_796 = arith.constant 0 : i32
      %dma_start3A_797 = tpu.memref_slice %arg2[%dma_start3A_795, %dma_start3A_796] : memref<65536x128xf32, #tpu.memory_space<hbm>> -> memref<65536x128xf32, #tpu.memory_space<hbm>>
      tpu.enqueue_indirect_dma source(%dma_start3A_797 : memref<65536x128xf32, #tpu.memory_space<hbm>>) target(%dma_start3A_791 : memref<128x128xf32, #tpu.memory_space<vmem>>) offsets(%dma_start3A_794 : memref<128xi32, #tpu.memory_space<vmem>>) semaphore(%arg7 : memref<!tpu.dma_semaphore, #tpu.memory_space<semaphore_mem>>)
      %add3A_798 = arith.constant 3 : i32
      %add3A_799 = arith.addi %mul3A_606, %add3A_798 : i32
      %dma_wait3A_800 = arith.constant 3 : i32
      %dma_wait3A_801 = arith.constant 0 : i32
      %dma_wait3A_802 = arith.constant 0 : i32
      %dma_wait3A_803 = tpu.memref_slice %arg6[%dma_wait3A_800, %dma_wait3A_801, %dma_wait3A_802] : memref<5x128x128xf32, #tpu.memory_space<vmem>> -> memref<1x128x128xf32, #tpu.memory_space<vmem>>
      %dma_wait3A_804 = tpu.memref_squeeze %dma_wait3A_803 : memref<1x128x128xf32, #tpu.memory_space<vmem>> -> memref<128x128xf32, #tpu.memory_space<vmem>>
      %dma_wait3A_805 = arith.constant 0 : i32
      %dma_wait3A_806 = tpu.memref_slice %arg5[%add3A_799, %dma_wait3A_805] : memref<200x128xi32, #tpu.memory_space<vmem>> -> memref<1x128xi32, #tpu.memory_space<vmem>>
      %dma_wait3A_807 = tpu.memref_squeeze %dma_wait3A_806 : memref<1x128xi32, #tpu.memory_space<vmem>> -> memref<128xi32, #tpu.memory_space<vmem>>
      %dma_wait3A_808 = arith.constant 0 : i32
      %dma_wait3A_809 = arith.constant 0 : i32
      %dma_wait3A_810 = tpu.memref_slice %arg2[%dma_wait3A_808, %dma_wait3A_809] : memref<65536x128xf32, #tpu.memory_space<hbm>> -> memref<65536x128xf32, #tpu.memory_space<hbm>>
      tpu.wait_indirect_dma semaphore(%arg7 : memref<!tpu.dma_semaphore, #tpu.memory_space<semaphore_mem>>) src(%dma_wait3A_810 : memref<65536x128xf32, #tpu.memory_space<hbm>>) dst(%dma_wait3A_804 : memref<128x128xf32, #tpu.memory_space<vmem>>)
      %dma_start3A_811 = arith.constant 3 : i32
      %dma_start3A_812 = arith.constant 0 : i32
      %dma_start3A_813 = arith.constant 0 : i32
      %dma_start3A_814 = tpu.memref_slice %arg6[%dma_start3A_811, %dma_start3A_812, %dma_start3A_813] : memref<5x128x128xf32, #tpu.memory_space<vmem>> -> memref<1x128x128xf32, #tpu.memory_space<vmem>>
      %dma_start3A_815 = tpu.memref_squeeze %dma_start3A_814 : memref<1x128x128xf32, #tpu.memory_space<vmem>> -> memref<128x128xf32, #tpu.memory_space<vmem>>
      %dma_start3A_816 = arith.constant 0 : i32
      %dma_start3A_817 = arith.constant 0 : i32
      %dma_start3A_818 = tpu.memref_slice %arg4[%add3A, %add3A_799, %dma_start3A_816, %dma_start3A_817] : memref<32x200x128x128xf32, #tpu.memory_space<hbm>> -> memref<1x1x128x128xf32, #tpu.memory_space<hbm>>
      %dma_start3A_819 = tpu.memref_squeeze %dma_start3A_818 : memref<1x1x128x128xf32, #tpu.memory_space<hbm>> -> memref<128x128xf32, #tpu.memory_space<hbm>>
      %dma_start3A_820 = arith.constant 0 : i32
      %dma_start3A_821 = arith.constant 0 : i32
      %dma_start3A_822 = tpu.memref_slice %arg4[%add3A, %add3A_799, %dma_start3A_820, %dma_start3A_821] : memref<32x200x128x128xf32, #tpu.memory_space<hbm>> -> memref<1x1x128x128xf32, #tpu.memory_space<hbm>>
      %dma_start3A_823 = tpu.memref_squeeze %dma_start3A_822 : memref<1x1x128x128xf32, #tpu.memory_space<hbm>> -> memref<128x128xf32, #tpu.memory_space<hbm>>
      %dma_start3A_824 = arith.constant 0 : i32
      %dma_start3A_825 = arith.constant 0 : i32
      %dma_start3A_826 = tpu.memref_slice %arg6[%dma_start3A_811, %dma_start3A_824, %dma_start3A_825] : memref<5x128x128xf32, #tpu.memory_space<vmem>> -> memref<1x128x128xf32, #tpu.memory_space<vmem>>
      %dma_start3A_827 = tpu.memref_squeeze %dma_start3A_826 : memref<1x128x128xf32, #tpu.memory_space<vmem>> -> memref<128x128xf32, #tpu.memory_space<vmem>>
      tpu.enqueue_dma source(%dma_start3A_827 : memref<128x128xf32, #tpu.memory_space<vmem>>) target(%dma_start3A_823 : memref<128x128xf32, #tpu.memory_space<hbm>>) target_semaphore(%arg8 : memref<!tpu.dma_semaphore, #tpu.memory_space<semaphore_mem>>)
      %sub3A_828 = arith.constant 1 : i32
      %sub3A_829 = arith.subi %add3A_799, %sub3A_828 : i32
      %dma_wait3A_830 = arith.constant 2 : i32
      %dma_wait3A_831 = arith.constant 0 : i32
      %dma_wait3A_832 = arith.constant 0 : i32
      %dma_wait3A_833 = tpu.memref_slice %arg6[%dma_wait3A_830, %dma_wait3A_831, %dma_wait3A_832] : memref<5x128x128xf32, #tpu.memory_space<vmem>> -> memref<1x128x128xf32, #tpu.memory_space<vmem>>
      %dma_wait3A_834 = tpu.memref_squeeze %dma_wait3A_833 : memref<1x128x128xf32, #tpu.memory_space<vmem>> -> memref<128x128xf32, #tpu.memory_space<vmem>>
      %dma_wait3A_835 = arith.constant 0 : i32
      %dma_wait3A_836 = arith.constant 0 : i32
      %dma_wait3A_837 = tpu.memref_slice %arg4[%add3A, %sub3A_829, %dma_wait3A_835, %dma_wait3A_836] : memref<32x200x128x128xf32, #tpu.memory_space<hbm>> -> memref<1x1x128x128xf32, #tpu.memory_space<hbm>>
      %dma_wait3A_838 = tpu.memref_squeeze %dma_wait3A_837 : memref<1x1x128x128xf32, #tpu.memory_space<hbm>> -> memref<128x128xf32, #tpu.memory_space<hbm>>
      %dma_wait3A_839 = arith.constant 0 : i32
      %dma_wait3A_840 = arith.constant 0 : i32
      %dma_wait3A_841 = tpu.memref_slice %arg4[%add3A, %sub3A_829, %dma_wait3A_839, %dma_wait3A_840] : memref<32x200x128x128xf32, #tpu.memory_space<hbm>> -> memref<1x1x128x128xf32, #tpu.memory_space<hbm>>
      %dma_wait3A_842 = tpu.memref_squeeze %dma_wait3A_841 : memref<1x1x128x128xf32, #tpu.memory_space<hbm>> -> memref<128x128xf32, #tpu.memory_space<hbm>>
      %dma_wait3A_843 = arith.constant 0 : i32
      %dma_wait3A_844 = arith.constant 0 : i32
      %dma_wait3A_845 = tpu.memref_slice %arg6[%dma_wait3A_830, %dma_wait3A_843, %dma_wait3A_844] : memref<5x128x128xf32, #tpu.memory_space<vmem>> -> memref<1x128x128xf32, #tpu.memory_space<vmem>>
      %dma_wait3A_846 = tpu.memref_squeeze %dma_wait3A_845 : memref<1x128x128xf32, #tpu.memory_space<vmem>> -> memref<128x128xf32, #tpu.memory_space<vmem>>
      tpu.wait_dma2 semaphore(%arg8 : memref<!tpu.dma_semaphore, #tpu.memory_space<semaphore_mem>>) src(%dma_wait3A_846 : memref<128x128xf32, #tpu.memory_space<vmem>>) dst(%dma_wait3A_842 : memref<128x128xf32, #tpu.memory_space<hbm>>)
      %add3A_847 = arith.constant 5 : i32
      %add3A_848 = arith.addi %add3A_799, %add3A_847 : i32
      %sub3A_849 = arith.constant 1 : i32
      %sub3A_850 = arith.subi %add3A_848, %sub3A_849 : i32
      %dma_start3A_851 = arith.constant 2 : i32
      %dma_start3A_852 = arith.constant 0 : i32
      %dma_start3A_853 = arith.constant 0 : i32
      %dma_start3A_854 = tpu.memref_slice %arg6[%dma_start3A_851, %dma_start3A_852, %dma_start3A_853] : memref<5x128x128xf32, #tpu.memory_space<vmem>> -> memref<1x128x128xf32, #tpu.memory_space<vmem>>
      %dma_start3A_855 = tpu.memref_squeeze %dma_start3A_854 : memref<1x128x128xf32, #tpu.memory_space<vmem>> -> memref<128x128xf32, #tpu.memory_space<vmem>>
      %dma_start3A_856 = arith.constant 0 : i32
      %dma_start3A_857 = tpu.memref_slice %arg5[%sub3A_850, %dma_start3A_856] : memref<200x128xi32, #tpu.memory_space<vmem>> -> memref<1x128xi32, #tpu.memory_space<vmem>>
      %dma_start3A_858 = tpu.memref_squeeze %dma_start3A_857 : memref<1x128xi32, #tpu.memory_space<vmem>> -> memref<128xi32, #tpu.memory_space<vmem>>
      %dma_start3A_859 = arith.constant 0 : i32
      %dma_start3A_860 = arith.constant 0 : i32
      %dma_start3A_861 = tpu.memref_slice %arg2[%dma_start3A_859, %dma_start3A_860] : memref<65536x128xf32, #tpu.memory_space<hbm>> -> memref<65536x128xf32, #tpu.memory_space<hbm>>
      tpu.enqueue_indirect_dma source(%dma_start3A_861 : memref<65536x128xf32, #tpu.memory_space<hbm>>) target(%dma_start3A_855 : memref<128x128xf32, #tpu.memory_space<vmem>>) offsets(%dma_start3A_858 : memref<128xi32, #tpu.memory_space<vmem>>) semaphore(%arg7 : memref<!tpu.dma_semaphore, #tpu.memory_space<semaphore_mem>>)
      %add3A_862 = arith.constant 4 : i32
      %add3A_863 = arith.addi %mul3A_606, %add3A_862 : i32
      %dma_wait3A_864 = arith.constant 4 : i32
      %dma_wait3A_865 = arith.constant 0 : i32
      %dma_wait3A_866 = arith.constant 0 : i32
      %dma_wait3A_867 = tpu.memref_slice %arg6[%dma_wait3A_864, %dma_wait3A_865, %dma_wait3A_866] : memref<5x128x128xf32, #tpu.memory_space<vmem>> -> memref<1x128x128xf32, #tpu.memory_space<vmem>>
      %dma_wait3A_868 = tpu.memref_squeeze %dma_wait3A_867 : memref<1x128x128xf32, #tpu.memory_space<vmem>> -> memref<128x128xf32, #tpu.memory_space<vmem>>
      %dma_wait3A_869 = arith.constant 0 : i32
      %dma_wait3A_870 = tpu.memref_slice %arg5[%add3A_863, %dma_wait3A_869] : memref<200x128xi32, #tpu.memory_space<vmem>> -> memref<1x128xi32, #tpu.memory_space<vmem>>
      %dma_wait3A_871 = tpu.memref_squeeze %dma_wait3A_870 : memref<1x128xi32, #tpu.memory_space<vmem>> -> memref<128xi32, #tpu.memory_space<vmem>>
      %dma_wait3A_872 = arith.constant 0 : i32
      %dma_wait3A_873 = arith.constant 0 : i32
      %dma_wait3A_874 = tpu.memref_slice %arg2[%dma_wait3A_872, %dma_wait3A_873] : memref<65536x128xf32, #tpu.memory_space<hbm>> -> memref<65536x128xf32, #tpu.memory_space<hbm>>
      tpu.wait_indirect_dma semaphore(%arg7 : memref<!tpu.dma_semaphore, #tpu.memory_space<semaphore_mem>>) src(%dma_wait3A_874 : memref<65536x128xf32, #tpu.memory_space<hbm>>) dst(%dma_wait3A_868 : memref<128x128xf32, #tpu.memory_space<vmem>>)
      %dma_start3A_875 = arith.constant 4 : i32
      %dma_start3A_876 = arith.constant 0 : i32
      %dma_start3A_877 = arith.constant 0 : i32
      %dma_start3A_878 = tpu.memref_slice %arg6[%dma_start3A_875, %dma_start3A_876, %dma_start3A_877] : memref<5x128x128xf32, #tpu.memory_space<vmem>> -> memref<1x128x128xf32, #tpu.memory_space<vmem>>
      %dma_start3A_879 = tpu.memref_squeeze %dma_start3A_878 : memref<1x128x128xf32, #tpu.memory_space<vmem>> -> memref<128x128xf32, #tpu.memory_space<vmem>>
      %dma_start3A_880 = arith.constant 0 : i32
      %dma_start3A_881 = arith.constant 0 : i32
      %dma_start3A_882 = tpu.memref_slice %arg4[%add3A, %add3A_863, %dma_start3A_880, %dma_start3A_881] : memref<32x200x128x128xf32, #tpu.memory_space<hbm>> -> memref<1x1x128x128xf32, #tpu.memory_space<hbm>>
      %dma_start3A_883 = tpu.memref_squeeze %dma_start3A_882 : memref<1x1x128x128xf32, #tpu.memory_space<hbm>> -> memref<128x128xf32, #tpu.memory_space<hbm>>
      %dma_start3A_884 = arith.constant 0 : i32
      %dma_start3A_885 = arith.constant 0 : i32
      %dma_start3A_886 = tpu.memref_slice %arg4[%add3A, %add3A_863, %dma_start3A_884, %dma_start3A_885] : memref<32x200x128x128xf32, #tpu.memory_space<hbm>> -> memref<1x1x128x128xf32, #tpu.memory_space<hbm>>
      %dma_start3A_887 = tpu.memref_squeeze %dma_start3A_886 : memref<1x1x128x128xf32, #tpu.memory_space<hbm>> -> memref<128x128xf32, #tpu.memory_space<hbm>>
      %dma_start3A_888 = arith.constant 0 : i32
      %dma_start3A_889 = arith.constant 0 : i32
      %dma_start3A_890 = tpu.memref_slice %arg6[%dma_start3A_875, %dma_start3A_888, %dma_start3A_889] : memref<5x128x128xf32, #tpu.memory_space<vmem>> -> memref<1x128x128xf32, #tpu.memory_space<vmem>>
      %dma_start3A_891 = tpu.memref_squeeze %dma_start3A_890 : memref<1x128x128xf32, #tpu.memory_space<vmem>> -> memref<128x128xf32, #tpu.memory_space<vmem>>
      tpu.enqueue_dma source(%dma_start3A_891 : memref<128x128xf32, #tpu.memory_space<vmem>>) target(%dma_start3A_887 : memref<128x128xf32, #tpu.memory_space<hbm>>) target_semaphore(%arg8 : memref<!tpu.dma_semaphore, #tpu.memory_space<semaphore_mem>>)
      %sub3A_892 = arith.constant 1 : i32
      %sub3A_893 = arith.subi %add3A_863, %sub3A_892 : i32
      %dma_wait3A_894 = arith.constant 3 : i32
      %dma_wait3A_895 = arith.constant 0 : i32
      %dma_wait3A_896 = arith.constant 0 : i32
      %dma_wait3A_897 = tpu.memref_slice %arg6[%dma_wait3A_894, %dma_wait3A_895, %dma_wait3A_896] : memref<5x128x128xf32, #tpu.memory_space<vmem>> -> memref<1x128x128xf32, #tpu.memory_space<vmem>>
      %dma_wait3A_898 = tpu.memref_squeeze %dma_wait3A_897 : memref<1x128x128xf32, #tpu.memory_space<vmem>> -> memref<128x128xf32, #tpu.memory_space<vmem>>
      %dma_wait3A_899 = arith.constant 0 : i32
      %dma_wait3A_900 = arith.constant 0 : i32
      %dma_wait3A_901 = tpu.memref_slice %arg4[%add3A, %sub3A_893, %dma_wait3A_899, %dma_wait3A_900] : memref<32x200x128x128xf32, #tpu.memory_space<hbm>> -> memref<1x1x128x128xf32, #tpu.memory_space<hbm>>
      %dma_wait3A_902 = tpu.memref_squeeze %dma_wait3A_901 : memref<1x1x128x128xf32, #tpu.memory_space<hbm>> -> memref<128x128xf32, #tpu.memory_space<hbm>>
      %dma_wait3A_903 = arith.constant 0 : i32
      %dma_wait3A_904 = arith.constant 0 : i32
      %dma_wait3A_905 = tpu.memref_slice %arg4[%add3A, %sub3A_893, %dma_wait3A_903, %dma_wait3A_904] : memref<32x200x128x128xf32, #tpu.memory_space<hbm>> -> memref<1x1x128x128xf32, #tpu.memory_space<hbm>>
      %dma_wait3A_906 = tpu.memref_squeeze %dma_wait3A_905 : memref<1x1x128x128xf32, #tpu.memory_space<hbm>> -> memref<128x128xf32, #tpu.memory_space<hbm>>
      %dma_wait3A_907 = arith.constant 0 : i32
      %dma_wait3A_908 = arith.constant 0 : i32
      %dma_wait3A_909 = tpu.memref_slice %arg6[%dma_wait3A_894, %dma_wait3A_907, %dma_wait3A_908] : memref<5x128x128xf32, #tpu.memory_space<vmem>> -> memref<1x128x128xf32, #tpu.memory_space<vmem>>
      %dma_wait3A_910 = tpu.memref_squeeze %dma_wait3A_909 : memref<1x128x128xf32, #tpu.memory_space<vmem>> -> memref<128x128xf32, #tpu.memory_space<vmem>>
      tpu.wait_dma2 semaphore(%arg8 : memref<!tpu.dma_semaphore, #tpu.memory_space<semaphore_mem>>) src(%dma_wait3A_910 : memref<128x128xf32, #tpu.memory_space<vmem>>) dst(%dma_wait3A_906 : memref<128x128xf32, #tpu.memory_space<hbm>>)
      %add3A_911 = arith.constant 5 : i32
      %add3A_912 = arith.addi %add3A_863, %add3A_911 : i32
      %sub3A_913 = arith.constant 1 : i32
      %sub3A_914 = arith.subi %add3A_912, %sub3A_913 : i32
      %dma_start3A_915 = arith.constant 3 : i32
      %dma_start3A_916 = arith.constant 0 : i32
      %dma_start3A_917 = arith.constant 0 : i32
      %dma_start3A_918 = tpu.memref_slice %arg6[%dma_start3A_915, %dma_start3A_916, %dma_start3A_917] : memref<5x128x128xf32, #tpu.memory_space<vmem>> -> memref<1x128x128xf32, #tpu.memory_space<vmem>>
      %dma_start3A_919 = tpu.memref_squeeze %dma_start3A_918 : memref<1x128x128xf32, #tpu.memory_space<vmem>> -> memref<128x128xf32, #tpu.memory_space<vmem>>
      %dma_start3A_920 = arith.constant 0 : i32
      %dma_start3A_921 = tpu.memref_slice %arg5[%sub3A_914, %dma_start3A_920] : memref<200x128xi32, #tpu.memory_space<vmem>> -> memref<1x128xi32, #tpu.memory_space<vmem>>
      %dma_start3A_922 = tpu.memref_squeeze %dma_start3A_921 : memref<1x128xi32, #tpu.memory_space<vmem>> -> memref<128xi32, #tpu.memory_space<vmem>>
      %dma_start3A_923 = arith.constant 0 : i32
      %dma_start3A_924 = arith.constant 0 : i32
      %dma_start3A_925 = tpu.memref_slice %arg2[%dma_start3A_923, %dma_start3A_924] : memref<65536x128xf32, #tpu.memory_space<hbm>> -> memref<65536x128xf32, #tpu.memory_space<hbm>>
      tpu.enqueue_indirect_dma source(%dma_start3A_925 : memref<65536x128xf32, #tpu.memory_space<hbm>>) target(%dma_start3A_919 : memref<128x128xf32, #tpu.memory_space<vmem>>) offsets(%dma_start3A_922 : memref<128xi32, #tpu.memory_space<vmem>>) semaphore(%arg7 : memref<!tpu.dma_semaphore, #tpu.memory_space<semaphore_mem>>)
    }
    %scan3A_333 = arith.constant 38 : i32
    %dma_wait3A_334 = arith.constant 195 : i32
    %dma_wait3A_335 = arith.constant 0 : i32
    %dma_wait3A_336 = arith.constant 0 : i32
    %dma_wait3A_337 = arith.constant 0 : i32
    %dma_wait3A_338 = tpu.memref_slice %arg6[%dma_wait3A_335, %dma_wait3A_336, %dma_wait3A_337] : memref<5x128x128xf32, #tpu.memory_space<vmem>> -> memref<1x128x128xf32, #tpu.memory_space<vmem>>
    %dma_wait3A_339 = tpu.memref_squeeze %dma_wait3A_338 : memref<1x128x128xf32, #tpu.memory_space<vmem>> -> memref<128x128xf32, #tpu.memory_space<vmem>>
    %dma_wait3A_340 = arith.constant 0 : i32
    %dma_wait3A_341 = tpu.memref_slice %arg5[%dma_wait3A_334, %dma_wait3A_340] : memref<200x128xi32, #tpu.memory_space<vmem>> -> memref<1x128xi32, #tpu.memory_space<vmem>>
    %dma_wait3A_342 = tpu.memref_squeeze %dma_wait3A_341 : memref<1x128xi32, #tpu.memory_space<vmem>> -> memref<128xi32, #tpu.memory_space<vmem>>
    %dma_wait3A_343 = arith.constant 0 : i32
    %dma_wait3A_344 = arith.constant 0 : i32
    %dma_wait3A_345 = tpu.memref_slice %arg2[%dma_wait3A_343, %dma_wait3A_344] : memref<65536x128xf32, #tpu.memory_space<hbm>> -> memref<65536x128xf32, #tpu.memory_space<hbm>>
    tpu.wait_indirect_dma semaphore(%arg7 : memref<!tpu.dma_semaphore, #tpu.memory_space<semaphore_mem>>) src(%dma_wait3A_345 : memref<65536x128xf32, #tpu.memory_space<hbm>>) dst(%dma_wait3A_339 : memref<128x128xf32, #tpu.memory_space<vmem>>)
    %dma_start3A_346 = arith.constant 0 : i32
    %dma_start3A_347 = arith.constant 195 : i32
    %dma_start3A_348 = arith.constant 0 : i32
    %dma_start3A_349 = arith.constant 0 : i32
    %dma_start3A_350 = tpu.memref_slice %arg6[%dma_start3A_346, %dma_start3A_348, %dma_start3A_349] : memref<5x128x128xf32, #tpu.memory_space<vmem>> -> memref<1x128x128xf32, #tpu.memory_space<vmem>>
    %dma_start3A_351 = tpu.memref_squeeze %dma_start3A_350 : memref<1x128x128xf32, #tpu.memory_space<vmem>> -> memref<128x128xf32, #tpu.memory_space<vmem>>
    %dma_start3A_352 = arith.constant 0 : i32
    %dma_start3A_353 = arith.constant 0 : i32
    %dma_start3A_354 = tpu.memref_slice %arg4[%add3A, %dma_start3A_347, %dma_start3A_352, %dma_start3A_353] : memref<32x200x128x128xf32, #tpu.memory_space<hbm>> -> memref<1x1x128x128xf32, #tpu.memory_space<hbm>>
    %dma_start3A_355 = tpu.memref_squeeze %dma_start3A_354 : memref<1x1x128x128xf32, #tpu.memory_space<hbm>> -> memref<128x128xf32, #tpu.memory_space<hbm>>
    %dma_start3A_356 = arith.constant 0 : i32
    %dma_start3A_357 = arith.constant 0 : i32
    %dma_start3A_358 = tpu.memref_slice %arg4[%add3A, %dma_start3A_347, %dma_start3A_356, %dma_start3A_357] : memref<32x200x128x128xf32, #tpu.memory_space<hbm>> -> memref<1x1x128x128xf32, #tpu.memory_space<hbm>>
    %dma_start3A_359 = tpu.memref_squeeze %dma_start3A_358 : memref<1x1x128x128xf32, #tpu.memory_space<hbm>> -> memref<128x128xf32, #tpu.memory_space<hbm>>
    %dma_start3A_360 = arith.constant 0 : i32
    %dma_start3A_361 = arith.constant 0 : i32
    %dma_start3A_362 = tpu.memref_slice %arg6[%dma_start3A_346, %dma_start3A_360, %dma_start3A_361] : memref<5x128x128xf32, #tpu.memory_space<vmem>> -> memref<1x128x128xf32, #tpu.memory_space<vmem>>
    %dma_start3A_363 = tpu.memref_squeeze %dma_start3A_362 : memref<1x128x128xf32, #tpu.memory_space<vmem>> -> memref<128x128xf32, #tpu.memory_space<vmem>>
    tpu.enqueue_dma source(%dma_start3A_363 : memref<128x128xf32, #tpu.memory_space<vmem>>) target(%dma_start3A_359 : memref<128x128xf32, #tpu.memory_space<hbm>>) target_semaphore(%arg8 : memref<!tpu.dma_semaphore, #tpu.memory_space<semaphore_mem>>)
    %dma_wait3A_364 = arith.constant 4 : i32
    %dma_wait3A_365 = arith.constant 194 : i32
    %dma_wait3A_366 = arith.constant 0 : i32
    %dma_wait3A_367 = arith.constant 0 : i32
    %dma_wait3A_368 = tpu.memref_slice %arg6[%dma_wait3A_364, %dma_wait3A_366, %dma_wait3A_367] : memref<5x128x128xf32, #tpu.memory_space<vmem>> -> memref<1x128x128xf32, #tpu.memory_space<vmem>>
    %dma_wait3A_369 = tpu.memref_squeeze %dma_wait3A_368 : memref<1x128x128xf32, #tpu.memory_space<vmem>> -> memref<128x128xf32, #tpu.memory_space<vmem>>
    %dma_wait3A_370 = arith.constant 0 : i32
    %dma_wait3A_371 = arith.constant 0 : i32
    %dma_wait3A_372 = tpu.memref_slice %arg4[%add3A, %dma_wait3A_365, %dma_wait3A_370, %dma_wait3A_371] : memref<32x200x128x128xf32, #tpu.memory_space<hbm>> -> memref<1x1x128x128xf32, #tpu.memory_space<hbm>>
    %dma_wait3A_373 = tpu.memref_squeeze %dma_wait3A_372 : memref<1x1x128x128xf32, #tpu.memory_space<hbm>> -> memref<128x128xf32, #tpu.memory_space<hbm>>
    %dma_wait3A_374 = arith.constant 0 : i32
    %dma_wait3A_375 = arith.constant 0 : i32
    %dma_wait3A_376 = tpu.memref_slice %arg4[%add3A, %dma_wait3A_365, %dma_wait3A_374, %dma_wait3A_375] : memref<32x200x128x128xf32, #tpu.memory_space<hbm>> -> memref<1x1x128x128xf32, #tpu.memory_space<hbm>>
    %dma_wait3A_377 = tpu.memref_squeeze %dma_wait3A_376 : memref<1x1x128x128xf32, #tpu.memory_space<hbm>> -> memref<128x128xf32, #tpu.memory_space<hbm>>
    %dma_wait3A_378 = arith.constant 0 : i32
    %dma_wait3A_379 = arith.constant 0 : i32
    %dma_wait3A_380 = tpu.memref_slice %arg6[%dma_wait3A_364, %dma_wait3A_378, %dma_wait3A_379] : memref<5x128x128xf32, #tpu.memory_space<vmem>> -> memref<1x128x128xf32, #tpu.memory_space<vmem>>
    %dma_wait3A_381 = tpu.memref_squeeze %dma_wait3A_380 : memref<1x128x128xf32, #tpu.memory_space<vmem>> -> memref<128x128xf32, #tpu.memory_space<vmem>>
    tpu.wait_dma2 semaphore(%arg8 : memref<!tpu.dma_semaphore, #tpu.memory_space<semaphore_mem>>) src(%dma_wait3A_381 : memref<128x128xf32, #tpu.memory_space<vmem>>) dst(%dma_wait3A_377 : memref<128x128xf32, #tpu.memory_space<hbm>>)
    %dma_start3A_382 = arith.constant 199 : i32
    %dma_start3A_383 = arith.constant 4 : i32
    %dma_start3A_384 = arith.constant 0 : i32
    %dma_start3A_385 = arith.constant 0 : i32
    %dma_start3A_386 = tpu.memref_slice %arg6[%dma_start3A_383, %dma_start3A_384, %dma_start3A_385] : memref<5x128x128xf32, #tpu.memory_space<vmem>> -> memref<1x128x128xf32, #tpu.memory_space<vmem>>
    %dma_start3A_387 = tpu.memref_squeeze %dma_start3A_386 : memref<1x128x128xf32, #tpu.memory_space<vmem>> -> memref<128x128xf32, #tpu.memory_space<vmem>>
    %dma_start3A_388 = arith.constant 0 : i32
    %dma_start3A_389 = tpu.memref_slice %arg5[%dma_start3A_382, %dma_start3A_388] : memref<200x128xi32, #tpu.memory_space<vmem>> -> memref<1x128xi32, #tpu.memory_space<vmem>>
    %dma_start3A_390 = tpu.memref_squeeze %dma_start3A_389 : memref<1x128xi32, #tpu.memory_space<vmem>> -> memref<128xi32, #tpu.memory_space<vmem>>
    %dma_start3A_391 = arith.constant 0 : i32
    %dma_start3A_392 = arith.constant 0 : i32
    %dma_start3A_393 = tpu.memref_slice %arg2[%dma_start3A_391, %dma_start3A_392] : memref<65536x128xf32, #tpu.memory_space<hbm>> -> memref<65536x128xf32, #tpu.memory_space<hbm>>
    tpu.enqueue_indirect_dma source(%dma_start3A_393 : memref<65536x128xf32, #tpu.memory_space<hbm>>) target(%dma_start3A_387 : memref<128x128xf32, #tpu.memory_space<vmem>>) offsets(%dma_start3A_390 : memref<128xi32, #tpu.memory_space<vmem>>) semaphore(%arg7 : memref<!tpu.dma_semaphore, #tpu.memory_space<semaphore_mem>>)
    %dma_wait3A_394 = arith.constant 196 : i32
    %dma_wait3A_395 = arith.constant 1 : i32
    %dma_wait3A_396 = arith.constant 0 : i32
    %dma_wait3A_397 = arith.constant 0 : i32
    %dma_wait3A_398 = tpu.memref_slice %arg6[%dma_wait3A_395, %dma_wait3A_396, %dma_wait3A_397] : memref<5x128x128xf32, #tpu.memory_space<vmem>> -> memref<1x128x128xf32, #tpu.memory_space<vmem>>
    %dma_wait3A_399 = tpu.memref_squeeze %dma_wait3A_398 : memref<1x128x128xf32, #tpu.memory_space<vmem>> -> memref<128x128xf32, #tpu.memory_space<vmem>>
    %dma_wait3A_400 = arith.constant 0 : i32
    %dma_wait3A_401 = tpu.memref_slice %arg5[%dma_wait3A_394, %dma_wait3A_400] : memref<200x128xi32, #tpu.memory_space<vmem>> -> memref<1x128xi32, #tpu.memory_space<vmem>>
    %dma_wait3A_402 = tpu.memref_squeeze %dma_wait3A_401 : memref<1x128xi32, #tpu.memory_space<vmem>> -> memref<128xi32, #tpu.memory_space<vmem>>
    %dma_wait3A_403 = arith.constant 0 : i32
    %dma_wait3A_404 = arith.constant 0 : i32
    %dma_wait3A_405 = tpu.memref_slice %arg2[%dma_wait3A_403, %dma_wait3A_404] : memref<65536x128xf32, #tpu.memory_space<hbm>> -> memref<65536x128xf32, #tpu.memory_space<hbm>>
    tpu.wait_indirect_dma semaphore(%arg7 : memref<!tpu.dma_semaphore, #tpu.memory_space<semaphore_mem>>) src(%dma_wait3A_405 : memref<65536x128xf32, #tpu.memory_space<hbm>>) dst(%dma_wait3A_399 : memref<128x128xf32, #tpu.memory_space<vmem>>)
    %dma_start3A_406 = arith.constant 1 : i32
    %dma_start3A_407 = arith.constant 196 : i32
    %dma_start3A_408 = arith.constant 0 : i32
    %dma_start3A_409 = arith.constant 0 : i32
    %dma_start3A_410 = tpu.memref_slice %arg6[%dma_start3A_406, %dma_start3A_408, %dma_start3A_409] : memref<5x128x128xf32, #tpu.memory_space<vmem>> -> memref<1x128x128xf32, #tpu.memory_space<vmem>>
    %dma_start3A_411 = tpu.memref_squeeze %dma_start3A_410 : memref<1x128x128xf32, #tpu.memory_space<vmem>> -> memref<128x128xf32, #tpu.memory_space<vmem>>
    %dma_start3A_412 = arith.constant 0 : i32
    %dma_start3A_413 = arith.constant 0 : i32
    %dma_start3A_414 = tpu.memref_slice %arg4[%add3A, %dma_start3A_407, %dma_start3A_412, %dma_start3A_413] : memref<32x200x128x128xf32, #tpu.memory_space<hbm>> -> memref<1x1x128x128xf32, #tpu.memory_space<hbm>>
    %dma_start3A_415 = tpu.memref_squeeze %dma_start3A_414 : memref<1x1x128x128xf32, #tpu.memory_space<hbm>> -> memref<128x128xf32, #tpu.memory_space<hbm>>
    %dma_start3A_416 = arith.constant 0 : i32
    %dma_start3A_417 = arith.constant 0 : i32
    %dma_start3A_418 = tpu.memref_slice %arg4[%add3A, %dma_start3A_407, %dma_start3A_416, %dma_start3A_417] : memref<32x200x128x128xf32, #tpu.memory_space<hbm>> -> memref<1x1x128x128xf32, #tpu.memory_space<hbm>>
    %dma_start3A_419 = tpu.memref_squeeze %dma_start3A_418 : memref<1x1x128x128xf32, #tpu.memory_space<hbm>> -> memref<128x128xf32, #tpu.memory_space<hbm>>
    %dma_start3A_420 = arith.constant 0 : i32
    %dma_start3A_421 = arith.constant 0 : i32
    %dma_start3A_422 = tpu.memref_slice %arg6[%dma_start3A_406, %dma_start3A_420, %dma_start3A_421] : memref<5x128x128xf32, #tpu.memory_space<vmem>> -> memref<1x128x128xf32, #tpu.memory_space<vmem>>
    %dma_start3A_423 = tpu.memref_squeeze %dma_start3A_422 : memref<1x128x128xf32, #tpu.memory_space<vmem>> -> memref<128x128xf32, #tpu.memory_space<vmem>>
    tpu.enqueue_dma source(%dma_start3A_423 : memref<128x128xf32, #tpu.memory_space<vmem>>) target(%dma_start3A_419 : memref<128x128xf32, #tpu.memory_space<hbm>>) target_semaphore(%arg8 : memref<!tpu.dma_semaphore, #tpu.memory_space<semaphore_mem>>)
    %dma_wait3A_424 = arith.constant 0 : i32
    %dma_wait3A_425 = arith.constant 195 : i32
    %dma_wait3A_426 = arith.constant 0 : i32
    %dma_wait3A_427 = arith.constant 0 : i32
    %dma_wait3A_428 = tpu.memref_slice %arg6[%dma_wait3A_424, %dma_wait3A_426, %dma_wait3A_427] : memref<5x128x128xf32, #tpu.memory_space<vmem>> -> memref<1x128x128xf32, #tpu.memory_space<vmem>>
    %dma_wait3A_429 = tpu.memref_squeeze %dma_wait3A_428 : memref<1x128x128xf32, #tpu.memory_space<vmem>> -> memref<128x128xf32, #tpu.memory_space<vmem>>
    %dma_wait3A_430 = arith.constant 0 : i32
    %dma_wait3A_431 = arith.constant 0 : i32
    %dma_wait3A_432 = tpu.memref_slice %arg4[%add3A, %dma_wait3A_425, %dma_wait3A_430, %dma_wait3A_431] : memref<32x200x128x128xf32, #tpu.memory_space<hbm>> -> memref<1x1x128x128xf32, #tpu.memory_space<hbm>>
    %dma_wait3A_433 = tpu.memref_squeeze %dma_wait3A_432 : memref<1x1x128x128xf32, #tpu.memory_space<hbm>> -> memref<128x128xf32, #tpu.memory_space<hbm>>
    %dma_wait3A_434 = arith.constant 0 : i32
    %dma_wait3A_435 = arith.constant 0 : i32
    %dma_wait3A_436 = tpu.memref_slice %arg4[%add3A, %dma_wait3A_425, %dma_wait3A_434, %dma_wait3A_435] : memref<32x200x128x128xf32, #tpu.memory_space<hbm>> -> memref<1x1x128x128xf32, #tpu.memory_space<hbm>>
    %dma_wait3A_437 = tpu.memref_squeeze %dma_wait3A_436 : memref<1x1x128x128xf32, #tpu.memory_space<hbm>> -> memref<128x128xf32, #tpu.memory_space<hbm>>
    %dma_wait3A_438 = arith.constant 0 : i32
    %dma_wait3A_439 = arith.constant 0 : i32
    %dma_wait3A_440 = tpu.memref_slice %arg6[%dma_wait3A_424, %dma_wait3A_438, %dma_wait3A_439] : memref<5x128x128xf32, #tpu.memory_space<vmem>> -> memref<1x128x128xf32, #tpu.memory_space<vmem>>
    %dma_wait3A_441 = tpu.memref_squeeze %dma_wait3A_440 : memref<1x128x128xf32, #tpu.memory_space<vmem>> -> memref<128x128xf32, #tpu.memory_space<vmem>>
    tpu.wait_dma2 semaphore(%arg8 : memref<!tpu.dma_semaphore, #tpu.memory_space<semaphore_mem>>) src(%dma_wait3A_441 : memref<128x128xf32, #tpu.memory_space<vmem>>) dst(%dma_wait3A_437 : memref<128x128xf32, #tpu.memory_space<hbm>>)
    %dma_wait3A_442 = arith.constant 197 : i32
    %dma_wait3A_443 = arith.constant 2 : i32
    %dma_wait3A_444 = arith.constant 0 : i32
    %dma_wait3A_445 = arith.constant 0 : i32
    %dma_wait3A_446 = tpu.memref_slice %arg6[%dma_wait3A_443, %dma_wait3A_444, %dma_wait3A_445] : memref<5x128x128xf32, #tpu.memory_space<vmem>> -> memref<1x128x128xf32, #tpu.memory_space<vmem>>
    %dma_wait3A_447 = tpu.memref_squeeze %dma_wait3A_446 : memref<1x128x128xf32, #tpu.memory_space<vmem>> -> memref<128x128xf32, #tpu.memory_space<vmem>>
    %dma_wait3A_448 = arith.constant 0 : i32
    %dma_wait3A_449 = tpu.memref_slice %arg5[%dma_wait3A_442, %dma_wait3A_448] : memref<200x128xi32, #tpu.memory_space<vmem>> -> memref<1x128xi32, #tpu.memory_space<vmem>>
    %dma_wait3A_450 = tpu.memref_squeeze %dma_wait3A_449 : memref<1x128xi32, #tpu.memory_space<vmem>> -> memref<128xi32, #tpu.memory_space<vmem>>
    %dma_wait3A_451 = arith.constant 0 : i32
    %dma_wait3A_452 = arith.constant 0 : i32
    %dma_wait3A_453 = tpu.memref_slice %arg2[%dma_wait3A_451, %dma_wait3A_452] : memref<65536x128xf32, #tpu.memory_space<hbm>> -> memref<65536x128xf32, #tpu.memory_space<hbm>>
    tpu.wait_indirect_dma semaphore(%arg7 : memref<!tpu.dma_semaphore, #tpu.memory_space<semaphore_mem>>) src(%dma_wait3A_453 : memref<65536x128xf32, #tpu.memory_space<hbm>>) dst(%dma_wait3A_447 : memref<128x128xf32, #tpu.memory_space<vmem>>)
    %dma_start3A_454 = arith.constant 2 : i32
    %dma_start3A_455 = arith.constant 197 : i32
    %dma_start3A_456 = arith.constant 0 : i32
    %dma_start3A_457 = arith.constant 0 : i32
    %dma_start3A_458 = tpu.memref_slice %arg6[%dma_start3A_454, %dma_start3A_456, %dma_start3A_457] : memref<5x128x128xf32, #tpu.memory_space<vmem>> -> memref<1x128x128xf32, #tpu.memory_space<vmem>>
    %dma_start3A_459 = tpu.memref_squeeze %dma_start3A_458 : memref<1x128x128xf32, #tpu.memory_space<vmem>> -> memref<128x128xf32, #tpu.memory_space<vmem>>
    %dma_start3A_460 = arith.constant 0 : i32
    %dma_start3A_461 = arith.constant 0 : i32
    %dma_start3A_462 = tpu.memref_slice %arg4[%add3A, %dma_start3A_455, %dma_start3A_460, %dma_start3A_461] : memref<32x200x128x128xf32, #tpu.memory_space<hbm>> -> memref<1x1x128x128xf32, #tpu.memory_space<hbm>>
    %dma_start3A_463 = tpu.memref_squeeze %dma_start3A_462 : memref<1x1x128x128xf32, #tpu.memory_space<hbm>> -> memref<128x128xf32, #tpu.memory_space<hbm>>
    %dma_start3A_464 = arith.constant 0 : i32
    %dma_start3A_465 = arith.constant 0 : i32
    %dma_start3A_466 = tpu.memref_slice %arg4[%add3A, %dma_start3A_455, %dma_start3A_464, %dma_start3A_465] : memref<32x200x128x128xf32, #tpu.memory_space<hbm>> -> memref<1x1x128x128xf32, #tpu.memory_space<hbm>>
    %dma_start3A_467 = tpu.memref_squeeze %dma_start3A_466 : memref<1x1x128x128xf32, #tpu.memory_space<hbm>> -> memref<128x128xf32, #tpu.memory_space<hbm>>
    %dma_start3A_468 = arith.constant 0 : i32
    %dma_start3A_469 = arith.constant 0 : i32
    %dma_start3A_470 = tpu.memref_slice %arg6[%dma_start3A_454, %dma_start3A_468, %dma_start3A_469] : memref<5x128x128xf32, #tpu.memory_space<vmem>> -> memref<1x128x128xf32, #tpu.memory_space<vmem>>
    %dma_start3A_471 = tpu.memref_squeeze %dma_start3A_470 : memref<1x128x128xf32, #tpu.memory_space<vmem>> -> memref<128x128xf32, #tpu.memory_space<vmem>>
    tpu.enqueue_dma source(%dma_start3A_471 : memref<128x128xf32, #tpu.memory_space<vmem>>) target(%dma_start3A_467 : memref<128x128xf32, #tpu.memory_space<hbm>>) target_semaphore(%arg8 : memref<!tpu.dma_semaphore, #tpu.memory_space<semaphore_mem>>)
    %dma_wait3A_472 = arith.constant 1 : i32
    %dma_wait3A_473 = arith.constant 196 : i32
    %dma_wait3A_474 = arith.constant 0 : i32
    %dma_wait3A_475 = arith.constant 0 : i32
    %dma_wait3A_476 = tpu.memref_slice %arg6[%dma_wait3A_472, %dma_wait3A_474, %dma_wait3A_475] : memref<5x128x128xf32, #tpu.memory_space<vmem>> -> memref<1x128x128xf32, #tpu.memory_space<vmem>>
    %dma_wait3A_477 = tpu.memref_squeeze %dma_wait3A_476 : memref<1x128x128xf32, #tpu.memory_space<vmem>> -> memref<128x128xf32, #tpu.memory_space<vmem>>
    %dma_wait3A_478 = arith.constant 0 : i32
    %dma_wait3A_479 = arith.constant 0 : i32
    %dma_wait3A_480 = tpu.memref_slice %arg4[%add3A, %dma_wait3A_473, %dma_wait3A_478, %dma_wait3A_479] : memref<32x200x128x128xf32, #tpu.memory_space<hbm>> -> memref<1x1x128x128xf32, #tpu.memory_space<hbm>>
    %dma_wait3A_481 = tpu.memref_squeeze %dma_wait3A_480 : memref<1x1x128x128xf32, #tpu.memory_space<hbm>> -> memref<128x128xf32, #tpu.memory_space<hbm>>
    %dma_wait3A_482 = arith.constant 0 : i32
    %dma_wait3A_483 = arith.constant 0 : i32
    %dma_wait3A_484 = tpu.memref_slice %arg4[%add3A, %dma_wait3A_473, %dma_wait3A_482, %dma_wait3A_483] : memref<32x200x128x128xf32, #tpu.memory_space<hbm>> -> memref<1x1x128x128xf32, #tpu.memory_space<hbm>>
    %dma_wait3A_485 = tpu.memref_squeeze %dma_wait3A_484 : memref<1x1x128x128xf32, #tpu.memory_space<hbm>> -> memref<128x128xf32, #tpu.memory_space<hbm>>
    %dma_wait3A_486 = arith.constant 0 : i32
    %dma_wait3A_487 = arith.constant 0 : i32
    %dma_wait3A_488 = tpu.memref_slice %arg6[%dma_wait3A_472, %dma_wait3A_486, %dma_wait3A_487] : memref<5x128x128xf32, #tpu.memory_space<vmem>> -> memref<1x128x128xf32, #tpu.memory_space<vmem>>
    %dma_wait3A_489 = tpu.memref_squeeze %dma_wait3A_488 : memref<1x128x128xf32, #tpu.memory_space<vmem>> -> memref<128x128xf32, #tpu.memory_space<vmem>>
    tpu.wait_dma2 semaphore(%arg8 : memref<!tpu.dma_semaphore, #tpu.memory_space<semaphore_mem>>) src(%dma_wait3A_489 : memref<128x128xf32, #tpu.memory_space<vmem>>) dst(%dma_wait3A_485 : memref<128x128xf32, #tpu.memory_space<hbm>>)
    %dma_wait3A_490 = arith.constant 198 : i32
    %dma_wait3A_491 = arith.constant 3 : i32
    %dma_wait3A_492 = arith.constant 0 : i32
    %dma_wait3A_493 = arith.constant 0 : i32
    %dma_wait3A_494 = tpu.memref_slice %arg6[%dma_wait3A_491, %dma_wait3A_492, %dma_wait3A_493] : memref<5x128x128xf32, #tpu.memory_space<vmem>> -> memref<1x128x128xf32, #tpu.memory_space<vmem>>
    %dma_wait3A_495 = tpu.memref_squeeze %dma_wait3A_494 : memref<1x128x128xf32, #tpu.memory_space<vmem>> -> memref<128x128xf32, #tpu.memory_space<vmem>>
    %dma_wait3A_496 = arith.constant 0 : i32
    %dma_wait3A_497 = tpu.memref_slice %arg5[%dma_wait3A_490, %dma_wait3A_496] : memref<200x128xi32, #tpu.memory_space<vmem>> -> memref<1x128xi32, #tpu.memory_space<vmem>>
    %dma_wait3A_498 = tpu.memref_squeeze %dma_wait3A_497 : memref<1x128xi32, #tpu.memory_space<vmem>> -> memref<128xi32, #tpu.memory_space<vmem>>
    %dma_wait3A_499 = arith.constant 0 : i32
    %dma_wait3A_500 = arith.constant 0 : i32
    %dma_wait3A_501 = tpu.memref_slice %arg2[%dma_wait3A_499, %dma_wait3A_500] : memref<65536x128xf32, #tpu.memory_space<hbm>> -> memref<65536x128xf32, #tpu.memory_space<hbm>>
    tpu.wait_indirect_dma semaphore(%arg7 : memref<!tpu.dma_semaphore, #tpu.memory_space<semaphore_mem>>) src(%dma_wait3A_501 : memref<65536x128xf32, #tpu.memory_space<hbm>>) dst(%dma_wait3A_495 : memref<128x128xf32, #tpu.memory_space<vmem>>)
    %dma_start3A_502 = arith.constant 3 : i32
    %dma_start3A_503 = arith.constant 198 : i32
    %dma_start3A_504 = arith.constant 0 : i32
    %dma_start3A_505 = arith.constant 0 : i32
    %dma_start3A_506 = tpu.memref_slice %arg6[%dma_start3A_502, %dma_start3A_504, %dma_start3A_505] : memref<5x128x128xf32, #tpu.memory_space<vmem>> -> memref<1x128x128xf32, #tpu.memory_space<vmem>>
    %dma_start3A_507 = tpu.memref_squeeze %dma_start3A_506 : memref<1x128x128xf32, #tpu.memory_space<vmem>> -> memref<128x128xf32, #tpu.memory_space<vmem>>
    %dma_start3A_508 = arith.constant 0 : i32
    %dma_start3A_509 = arith.constant 0 : i32
    %dma_start3A_510 = tpu.memref_slice %arg4[%add3A, %dma_start3A_503, %dma_start3A_508, %dma_start3A_509] : memref<32x200x128x128xf32, #tpu.memory_space<hbm>> -> memref<1x1x128x128xf32, #tpu.memory_space<hbm>>
    %dma_start3A_511 = tpu.memref_squeeze %dma_start3A_510 : memref<1x1x128x128xf32, #tpu.memory_space<hbm>> -> memref<128x128xf32, #tpu.memory_space<hbm>>
    %dma_start3A_512 = arith.constant 0 : i32
    %dma_start3A_513 = arith.constant 0 : i32
    %dma_start3A_514 = tpu.memref_slice %arg4[%add3A, %dma_start3A_503, %dma_start3A_512, %dma_start3A_513] : memref<32x200x128x128xf32, #tpu.memory_space<hbm>> -> memref<1x1x128x128xf32, #tpu.memory_space<hbm>>
    %dma_start3A_515 = tpu.memref_squeeze %dma_start3A_514 : memref<1x1x128x128xf32, #tpu.memory_space<hbm>> -> memref<128x128xf32, #tpu.memory_space<hbm>>
    %dma_start3A_516 = arith.constant 0 : i32
    %dma_start3A_517 = arith.constant 0 : i32
    %dma_start3A_518 = tpu.memref_slice %arg6[%dma_start3A_502, %dma_start3A_516, %dma_start3A_517] : memref<5x128x128xf32, #tpu.memory_space<vmem>> -> memref<1x128x128xf32, #tpu.memory_space<vmem>>
    %dma_start3A_519 = tpu.memref_squeeze %dma_start3A_518 : memref<1x128x128xf32, #tpu.memory_space<vmem>> -> memref<128x128xf32, #tpu.memory_space<vmem>>
    tpu.enqueue_dma source(%dma_start3A_519 : memref<128x128xf32, #tpu.memory_space<vmem>>) target(%dma_start3A_515 : memref<128x128xf32, #tpu.memory_space<hbm>>) target_semaphore(%arg8 : memref<!tpu.dma_semaphore, #tpu.memory_space<semaphore_mem>>)
    %dma_wait3A_520 = arith.constant 2 : i32
    %dma_wait3A_521 = arith.constant 197 : i32
    %dma_wait3A_522 = arith.constant 0 : i32
    %dma_wait3A_523 = arith.constant 0 : i32
    %dma_wait3A_524 = tpu.memref_slice %arg6[%dma_wait3A_520, %dma_wait3A_522, %dma_wait3A_523] : memref<5x128x128xf32, #tpu.memory_space<vmem>> -> memref<1x128x128xf32, #tpu.memory_space<vmem>>
    %dma_wait3A_525 = tpu.memref_squeeze %dma_wait3A_524 : memref<1x128x128xf32, #tpu.memory_space<vmem>> -> memref<128x128xf32, #tpu.memory_space<vmem>>
    %dma_wait3A_526 = arith.constant 0 : i32
    %dma_wait3A_527 = arith.constant 0 : i32
    %dma_wait3A_528 = tpu.memref_slice %arg4[%add3A, %dma_wait3A_521, %dma_wait3A_526, %dma_wait3A_527] : memref<32x200x128x128xf32, #tpu.memory_space<hbm>> -> memref<1x1x128x128xf32, #tpu.memory_space<hbm>>
    %dma_wait3A_529 = tpu.memref_squeeze %dma_wait3A_528 : memref<1x1x128x128xf32, #tpu.memory_space<hbm>> -> memref<128x128xf32, #tpu.memory_space<hbm>>
    %dma_wait3A_530 = arith.constant 0 : i32
    %dma_wait3A_531 = arith.constant 0 : i32
    %dma_wait3A_532 = tpu.memref_slice %arg4[%add3A, %dma_wait3A_521, %dma_wait3A_530, %dma_wait3A_531] : memref<32x200x128x128xf32, #tpu.memory_space<hbm>> -> memref<1x1x128x128xf32, #tpu.memory_space<hbm>>
    %dma_wait3A_533 = tpu.memref_squeeze %dma_wait3A_532 : memref<1x1x128x128xf32, #tpu.memory_space<hbm>> -> memref<128x128xf32, #tpu.memory_space<hbm>>
    %dma_wait3A_534 = arith.constant 0 : i32
    %dma_wait3A_535 = arith.constant 0 : i32
    %dma_wait3A_536 = tpu.memref_slice %arg6[%dma_wait3A_520, %dma_wait3A_534, %dma_wait3A_535] : memref<5x128x128xf32, #tpu.memory_space<vmem>> -> memref<1x128x128xf32, #tpu.memory_space<vmem>>
    %dma_wait3A_537 = tpu.memref_squeeze %dma_wait3A_536 : memref<1x128x128xf32, #tpu.memory_space<vmem>> -> memref<128x128xf32, #tpu.memory_space<vmem>>
    tpu.wait_dma2 semaphore(%arg8 : memref<!tpu.dma_semaphore, #tpu.memory_space<semaphore_mem>>) src(%dma_wait3A_537 : memref<128x128xf32, #tpu.memory_space<vmem>>) dst(%dma_wait3A_533 : memref<128x128xf32, #tpu.memory_space<hbm>>)
    %dma_wait3A_538 = arith.constant 199 : i32
    %dma_wait3A_539 = arith.constant 4 : i32
    %dma_wait3A_540 = arith.constant 0 : i32
    %dma_wait3A_541 = arith.constant 0 : i32
    %dma_wait3A_542 = tpu.memref_slice %arg6[%dma_wait3A_539, %dma_wait3A_540, %dma_wait3A_541] : memref<5x128x128xf32, #tpu.memory_space<vmem>> -> memref<1x128x128xf32, #tpu.memory_space<vmem>>
    %dma_wait3A_543 = tpu.memref_squeeze %dma_wait3A_542 : memref<1x128x128xf32, #tpu.memory_space<vmem>> -> memref<128x128xf32, #tpu.memory_space<vmem>>
    %dma_wait3A_544 = arith.constant 0 : i32
    %dma_wait3A_545 = tpu.memref_slice %arg5[%dma_wait3A_538, %dma_wait3A_544] : memref<200x128xi32, #tpu.memory_space<vmem>> -> memref<1x128xi32, #tpu.memory_space<vmem>>
    %dma_wait3A_546 = tpu.memref_squeeze %dma_wait3A_545 : memref<1x128xi32, #tpu.memory_space<vmem>> -> memref<128xi32, #tpu.memory_space<vmem>>
    %dma_wait3A_547 = arith.constant 0 : i32
    %dma_wait3A_548 = arith.constant 0 : i32
    %dma_wait3A_549 = tpu.memref_slice %arg2[%dma_wait3A_547, %dma_wait3A_548] : memref<65536x128xf32, #tpu.memory_space<hbm>> -> memref<65536x128xf32, #tpu.memory_space<hbm>>
    tpu.wait_indirect_dma semaphore(%arg7 : memref<!tpu.dma_semaphore, #tpu.memory_space<semaphore_mem>>) src(%dma_wait3A_549 : memref<65536x128xf32, #tpu.memory_space<hbm>>) dst(%dma_wait3A_543 : memref<128x128xf32, #tpu.memory_space<vmem>>)
    %dma_start3A_550 = arith.constant 4 : i32
    %dma_start3A_551 = arith.constant 199 : i32
    %dma_start3A_552 = arith.constant 0 : i32
    %dma_start3A_553 = arith.constant 0 : i32
    %dma_start3A_554 = tpu.memref_slice %arg6[%dma_start3A_550, %dma_start3A_552, %dma_start3A_553] : memref<5x128x128xf32, #tpu.memory_space<vmem>> -> memref<1x128x128xf32, #tpu.memory_space<vmem>>
    %dma_start3A_555 = tpu.memref_squeeze %dma_start3A_554 : memref<1x128x128xf32, #tpu.memory_space<vmem>> -> memref<128x128xf32, #tpu.memory_space<vmem>>
    %dma_start3A_556 = arith.constant 0 : i32
    %dma_start3A_557 = arith.constant 0 : i32
    %dma_start3A_558 = tpu.memref_slice %arg4[%add3A, %dma_start3A_551, %dma_start3A_556, %dma_start3A_557] : memref<32x200x128x128xf32, #tpu.memory_space<hbm>> -> memref<1x1x128x128xf32, #tpu.memory_space<hbm>>
    %dma_start3A_559 = tpu.memref_squeeze %dma_start3A_558 : memref<1x1x128x128xf32, #tpu.memory_space<hbm>> -> memref<128x128xf32, #tpu.memory_space<hbm>>
    %dma_start3A_560 = arith.constant 0 : i32
    %dma_start3A_561 = arith.constant 0 : i32
    %dma_start3A_562 = tpu.memref_slice %arg4[%add3A, %dma_start3A_551, %dma_start3A_560, %dma_start3A_561] : memref<32x200x128x128xf32, #tpu.memory_space<hbm>> -> memref<1x1x128x128xf32, #tpu.memory_space<hbm>>
    %dma_start3A_563 = tpu.memref_squeeze %dma_start3A_562 : memref<1x1x128x128xf32, #tpu.memory_space<hbm>> -> memref<128x128xf32, #tpu.memory_space<hbm>>
    %dma_start3A_564 = arith.constant 0 : i32
    %dma_start3A_565 = arith.constant 0 : i32
    %dma_start3A_566 = tpu.memref_slice %arg6[%dma_start3A_550, %dma_start3A_564, %dma_start3A_565] : memref<5x128x128xf32, #tpu.memory_space<vmem>> -> memref<1x128x128xf32, #tpu.memory_space<vmem>>
    %dma_start3A_567 = tpu.memref_squeeze %dma_start3A_566 : memref<1x128x128xf32, #tpu.memory_space<vmem>> -> memref<128x128xf32, #tpu.memory_space<vmem>>
    tpu.enqueue_dma source(%dma_start3A_567 : memref<128x128xf32, #tpu.memory_space<vmem>>) target(%dma_start3A_563 : memref<128x128xf32, #tpu.memory_space<hbm>>) target_semaphore(%arg8 : memref<!tpu.dma_semaphore, #tpu.memory_space<semaphore_mem>>)
    %dma_wait3A_568 = arith.constant 3 : i32
    %dma_wait3A_569 = arith.constant 198 : i32
    %dma_wait3A_570 = arith.constant 0 : i32
    %dma_wait3A_571 = arith.constant 0 : i32
    %dma_wait3A_572 = tpu.memref_slice %arg6[%dma_wait3A_568, %dma_wait3A_570, %dma_wait3A_571] : memref<5x128x128xf32, #tpu.memory_space<vmem>> -> memref<1x128x128xf32, #tpu.memory_space<vmem>>
    %dma_wait3A_573 = tpu.memref_squeeze %dma_wait3A_572 : memref<1x128x128xf32, #tpu.memory_space<vmem>> -> memref<128x128xf32, #tpu.memory_space<vmem>>
    %dma_wait3A_574 = arith.constant 0 : i32
    %dma_wait3A_575 = arith.constant 0 : i32
    %dma_wait3A_576 = tpu.memref_slice %arg4[%add3A, %dma_wait3A_569, %dma_wait3A_574, %dma_wait3A_575] : memref<32x200x128x128xf32, #tpu.memory_space<hbm>> -> memref<1x1x128x128xf32, #tpu.memory_space<hbm>>
    %dma_wait3A_577 = tpu.memref_squeeze %dma_wait3A_576 : memref<1x1x128x128xf32, #tpu.memory_space<hbm>> -> memref<128x128xf32, #tpu.memory_space<hbm>>
    %dma_wait3A_578 = arith.constant 0 : i32
    %dma_wait3A_579 = arith.constant 0 : i32
    %dma_wait3A_580 = tpu.memref_slice %arg4[%add3A, %dma_wait3A_569, %dma_wait3A_578, %dma_wait3A_579] : memref<32x200x128x128xf32, #tpu.memory_space<hbm>> -> memref<1x1x128x128xf32, #tpu.memory_space<hbm>>
    %dma_wait3A_581 = tpu.memref_squeeze %dma_wait3A_580 : memref<1x1x128x128xf32, #tpu.memory_space<hbm>> -> memref<128x128xf32, #tpu.memory_space<hbm>>
    %dma_wait3A_582 = arith.constant 0 : i32
    %dma_wait3A_583 = arith.constant 0 : i32
    %dma_wait3A_584 = tpu.memref_slice %arg6[%dma_wait3A_568, %dma_wait3A_582, %dma_wait3A_583] : memref<5x128x128xf32, #tpu.memory_space<vmem>> -> memref<1x128x128xf32, #tpu.memory_space<vmem>>
    %dma_wait3A_585 = tpu.memref_squeeze %dma_wait3A_584 : memref<1x128x128xf32, #tpu.memory_space<vmem>> -> memref<128x128xf32, #tpu.memory_space<vmem>>
    tpu.wait_dma2 semaphore(%arg8 : memref<!tpu.dma_semaphore, #tpu.memory_space<semaphore_mem>>) src(%dma_wait3A_585 : memref<128x128xf32, #tpu.memory_space<vmem>>) dst(%dma_wait3A_581 : memref<128x128xf32, #tpu.memory_space<hbm>>)
    %dma_wait3A_586 = arith.constant 4 : i32
    %dma_wait3A_587 = arith.constant 199 : i32
    %dma_wait3A_588 = arith.constant 0 : i32
    %dma_wait3A_589 = arith.constant 0 : i32
    %dma_wait3A_590 = tpu.memref_slice %arg6[%dma_wait3A_586, %dma_wait3A_588, %dma_wait3A_589] : memref<5x128x128xf32, #tpu.memory_space<vmem>> -> memref<1x128x128xf32, #tpu.memory_space<vmem>>
    %dma_wait3A_591 = tpu.memref_squeeze %dma_wait3A_590 : memref<1x128x128xf32, #tpu.memory_space<vmem>> -> memref<128x128xf32, #tpu.memory_space<vmem>>
    %dma_wait3A_592 = arith.constant 0 : i32
    %dma_wait3A_593 = arith.constant 0 : i32
    %dma_wait3A_594 = tpu.memref_slice %arg4[%add3A, %dma_wait3A_587, %dma_wait3A_592, %dma_wait3A_593] : memref<32x200x128x128xf32, #tpu.memory_space<hbm>> -> memref<1x1x128x128xf32, #tpu.memory_space<hbm>>
    %dma_wait3A_595 = tpu.memref_squeeze %dma_wait3A_594 : memref<1x1x128x128xf32, #tpu.memory_space<hbm>> -> memref<128x128xf32, #tpu.memory_space<hbm>>
    %dma_wait3A_596 = arith.constant 0 : i32
    %dma_wait3A_597 = arith.constant 0 : i32
    %dma_wait3A_598 = tpu.memref_slice %arg4[%add3A, %dma_wait3A_587, %dma_wait3A_596, %dma_wait3A_597] : memref<32x200x128x128xf32, #tpu.memory_space<hbm>> -> memref<1x1x128x128xf32, #tpu.memory_space<hbm>>
    %dma_wait3A_599 = tpu.memref_squeeze %dma_wait3A_598 : memref<1x1x128x128xf32, #tpu.memory_space<hbm>> -> memref<128x128xf32, #tpu.memory_space<hbm>>
    %dma_wait3A_600 = arith.constant 0 : i32
    %dma_wait3A_601 = arith.constant 0 : i32
    %dma_wait3A_602 = tpu.memref_slice %arg6[%dma_wait3A_586, %dma_wait3A_600, %dma_wait3A_601] : memref<5x128x128xf32, #tpu.memory_space<vmem>> -> memref<1x128x128xf32, #tpu.memory_space<vmem>>
    %dma_wait3A_603 = tpu.memref_squeeze %dma_wait3A_602 : memref<1x128x128xf32, #tpu.memory_space<vmem>> -> memref<128x128xf32, #tpu.memory_space<vmem>>
    tpu.wait_dma2 semaphore(%arg8 : memref<!tpu.dma_semaphore, #tpu.memory_space<semaphore_mem>>) src(%dma_wait3A_603 : memref<128x128xf32, #tpu.memory_space<vmem>>) dst(%dma_wait3A_599 : memref<128x128xf32, #tpu.memory_space<hbm>>)
    return
  }
}

</mosaic_0001>

<sc_bundles>
// kernel: kernel.3.cloned.1.call-start
scs
__scs_entry_jumppad:
0x0: {  	(pc) =	sbr.rel $0x88, $3  }
0x1: {  	(tag) =	ssettag $0x0;
	lr =	simm.s32 $0x1  }
0x2: {  	[smem:$0x3F9F] =	sst lr;
	_ =	strace $0xD0000000  }
0x3: {  	_ = 	snop  }
0x4: {  	_ = 	snop  }
0x5: {  	_ = 	snop  }
0x6: {  	_ = 	snop  }
0x7: {  	_ = 	snop  }
__scs_overlays_trampoline_lowered:
0x8: {  	[smem:$0x3FAE] =	sst s0  }
0x9: {  	[smem:$0x3FAF] =	sst s1  }
0xa: {  	[smem:$0x3FB0] =	sst s2  }
0xb: {  	[smem:$0x3FB1] =	sst s3  }
0xc: {  	[smem:$0x3FB2] =	sst s4  }
0xd: {  	[smem:$0x3FB3] =	sst s5  }
0xe: {  	[smem:$0x3FB4] =	sst s6  }
0xf: {  	[smem:$0x3FB5] =	sst s7  }
0x10: {  	[smem:$0x3FB6] =	sst s8  }
0x11: {  	[smem:$0x3FB7] =	sst s9;
	s0 =	simm.s32 @!p0 $0x0  }
0x12: {  	s1 =	sld [smem:$0x3F9D];
	s0 =	simm.s32 @p0 $0x1  }
0x13: {  	[smem:$0x3FB8] =	sst s0;
	s0 =	simm.s32 @!p1 $0x0  }
0x14: {  	s2 =	sld [smem:$0x3F9C];
	s0 =	simm.s32 @p1 $0x1  }
0x15: {  	[smem:$0x3FB9] =	sst s0;
	s0 =	simm.s32 @!p2 $0x0  }
0x16: {  	s3 =	sld [smem:$0x3FDB];
	s0 =	simm.s32 @p2 $0x1  }
0x17: {  	s4 =	simm.s32 $0x1BF5;
	[smem:$0x3FBB] =	sst s0  }
0x18: {  	s0 =	sld [smem:$0x3F9E];
	_ =	swait.ge [sflag:s4], $0x0  }
0x19: {  	s7 =	sld [smem:$0x3F9F]  }
0x1a: {  	s8 =	sadd.s32 $0xFFFFE003, lr  }
0x1b: {  	s9 =	sadd.s32 $0xFFFFFEF7, lr;
	s5 =	simm.s32 $0xFFFFFFFF;
	p2 =	slt.u32 s8, $0xFFFFF086  }
0x1c: {  	p1 =	slt.u32 s9, $0xF7A;
	s5 =	simm.s32 @!p2 $0x0  }
0x1d: {  	s5 =	simm.s32 @p1 $0x1;
	p0 =	seq.s32 s7, s2  }
0x1e: {  	s7 =	smul.u32 @!p0 $0xF7A, s2;
	p2 =	seq.s32 @!p0 s5, $0x0  }
0x1f: {  	s9 =	smul.u32 $0xF7A, s1;
	s8 =	simm.s32 @!p0 $0x1BF5;
	p2 =	por !p2, p0  }
0x20: {  	[sflag:s8] =	ssyncset.s32 @!p0 $0xFFFFF086;
	s6 =	sadd.s32 @!p0 s3, s7;
	s7 =	simm.s32 @!p0 $0x108  }
0x21: {  	s3 =	sadd.s32 s3, s9;
	s6 =	sadd.s32 @!p0 $0x88, s6;
	s7 =	simm.s32 @p2 $0x1082  }
0x22: {  	[simem:s7], [sflag:s8] =	dma.local @!p0 [hbm:s6], $0xF7A  }
0x23: {  	s9 =	sor.u32 $0xD0000000, s2;
	s6 =	simm.s32 $0x108;
	_ =	swait.ge @!p0 [sflag:s8], $0x0  }
0x24: {  	s3 =	sadd.s32 $0x88, s3;
	s6 =	simm.s32 @!p1 $0x1082;
	[sflag:s4] =	ssyncset.s32 $0xFFFFF086  }
0x25: {  	[simem:s6], [sflag:s4] =	dma.local [hbm:s3], $0xF7A  }
0x26: {  	[smem:$0x3F9F] =	sst s1;
	(tag) =	ssettag s2;
	_ =	strace s9  }
0x27: {  	s1 =	sld [smem:$0x3FAF]  }
0x28: {  	s2 =	sld [smem:$0x3FB0]  }
0x29: {  	s4 =	sld [smem:$0x3FB2]  }
0x2a: {  	p0 =	seq.s32 s5, $0x0;
	s5 =	sld [smem:$0x3FB3]  }
0x2b: {  	s6 =	sld [smem:$0x3FB4]  }
0x2c: {  	s7 =	sld [smem:$0x3FB5]  }
0x2d: {  	s3 =	simm.s32 $0x108;
	s8 =	sld [smem:$0x3FB6]  }
0x2e: {  	s3 =	simm.s32 @!p0 $0x1082;
	s9 =	sld [smem:$0x3FB7]  }
0x2f: {  	lr =	sadd.s32 s0, s3;
	s0 =	sld [smem:$0x3FAE]  }
0x30: {  	s3 =	sld [smem:$0x3FB1]  }
0x31: {  	[smem:$0x3FBA] =	sst s10  }
0x32: {  	s10 =	sld [smem:$0x3FB8];
	_ =	sdelay $0x3  }
0x33: {  	p0 =	seq.s32 s10, $0x1;
	s10 =	sld [smem:$0x3FBA];
	_ =	sdelay $0x3  }
0x34: {  	[smem:$0x3FBA] =	sst s10  }
0x35: {  	s10 =	sld [smem:$0x3FB9];
	_ =	sdelay $0x3  }
0x36: {  	p1 =	seq.s32 s10, $0x1;
	s10 =	sld [smem:$0x3FBA];
	_ =	sdelay $0x3  }
0x37: {  	[smem:$0x3FBA] =	sst s10  }
0x38: {  	s10 =	sld [smem:$0x3FBB]  }
0x39: {  	_ = 	snop;
	(pc) =	sbr.ind lr, $3  }
0x3a: {  	_ = 	snop  }
0x3b: {  	_ = 	snop  }
0x3c: {  	p2 =	seq.s32 s10, $0x1;
	s10 =	sld [smem:$0x3FBA]  }
0x3d: {  	_ =	shalt  }
0x3e: {  	_ =	shalt  }
0x3f: {  	_ =	shalt  }
0x40: {  	_ =	shalt  }
0x41: {  	_ =	shalt  }
0x42: {  	_ =	shalt  }
0x43: {  	_ =	shalt  }
0x44: {  	_ =	shalt  }
0x45: {  	_ =	shalt  }
0x46: {  	_ =	shalt  }
0x47: {  	_ =	shalt  }
0x48: {  	_ =	shalt  }
0x49: {  	_ =	shalt  }
0x4a: {  	_ =	shalt  }
0x4b: {  	_ =	shalt  }
0x4c: {  	_ =	shalt  }
0x4d: {  	_ =	shalt  }
0x4e: {  	_ =	shalt  }
0x4f: {  	_ =	shalt  }
0x50: {  	_ =	shalt  }
0x51: {  	_ =	shalt  }
0x52: {  	_ =	shalt  }
0x53: {  	_ =	shalt  }
0x54: {  	_ =	shalt  }
0x55: {  	_ =	shalt  }
0x56: {  	_ =	shalt  }
0x57: {  	_ =	shalt  }
0x58: {  	_ =	shalt  }
0x59: {  	_ =	shalt  }
0x5a: {  	_ =	shalt  }
0x5b: {  	_ =	shalt  }
0x5c: {  	_ =	shalt  }
0x5d: {  	_ =	shalt  }
0x5e: {  	_ =	shalt  }
0x5f: {  	_ =	shalt  }
0x60: {  	_ =	shalt  }
0x61: {  	_ =	shalt  }
0x62: {  	_ =	shalt  }
0x63: {  	_ =	shalt  }
0x64: {  	_ =	shalt  }
0x65: {  	_ =	shalt  }
0x66: {  	_ =	shalt  }
0x67: {  	_ =	shalt  }
0x68: {  	_ =	shalt  }
0x69: {  	_ =	shalt  }
0x6a: {  	_ =	shalt  }
0x6b: {  	_ =	shalt  }
0x6c: {  	_ =	shalt  }
0x6d: {  	_ =	shalt  }
0x6e: {  	_ =	shalt  }
0x6f: {  	_ =	shalt  }
0x70: {  	_ =	shalt  }
0x71: {  	_ =	shalt  }
0x72: {  	_ =	shalt  }
0x73: {  	_ =	shalt  }
0x74: {  	_ =	shalt  }
0x75: {  	_ =	shalt  }
0x76: {  	_ =	shalt  }
0x77: {  	_ =	shalt  }
0x78: {  	_ =	shalt  }
0x79: {  	_ =	shalt  }
0x7a: {  	_ =	shalt  }
0x7b: {  	_ =	shalt  }
0x7c: {  	_ =	shalt  }
0x7d: {  	_ =	shalt  }
0x7e: {  	_ =	shalt  }
0x7f: {  	_ =	shalt  }
0x80: {  	_ =	shalt  }
0x81: {  	_ =	shalt  }
0x82: {  	_ =	shalt  }
0x83: {  	_ =	shalt  }
0x84: {  	_ =	shalt  }
0x85: {  	_ =	shalt  }
0x86: {  	_ =	shalt  }
0x87: {  	_ =	shalt  }
.Lfunc_end0:
.L_simem_size_0:
called_computation.1_lowered:
.L_overlay_start_0:
0x88: {  	s2 =	sld [smem:$0x3FD9]  }
0x89: {  	s3 =	sld [smem:$0x3FFE];
	_ =	sdelay $0x1  }
0x8a: {  	s1 =	srdreg.scid  }
0x8b: {  	s0 =	sand.u32 $0x1, s1  }
0x8c: {  	s16 =	sshll.u32 s0, $0xA;
	s2 =	sadd.s32 s3, s2  }
0x8d: {  	s2 =	sadd.s32 s2, s16  }
0x8e: {  	[smem:$0x3FC6] =	sst s2  }
0x8f: {  	_ = 	snop  }
0x90: {  	(tm) =	ssettm $0x1  }
0x91: {  	s17 =	sld [smem:$0x3FFB];
	_ =	sdelay $0x3  }
0x92: {  	_ =	strace s17  }
0x93: {  	s2 =	sld [smem:$0x3FFC];
	_ =	sdelay $0x3  }
0x94: {  	_ =	strace s2  }
0x95: {  	s2 =	sld [smem:$0x3FFD];
	_ =	sdelay $0x3  }
0x96: {  	_ =	strace s2  }
0x97: {  	_ =	strace $0x8FFFFFFF  }
0x98: {  	s18 =	sld [smem:$0x3FDB];
	_ =	sdelay $0x1  }
0x99: {  	s19 =	simm.s32 $_scs_section_size  }
0x9a: {  	s4 =	simm.s32 $_size__tile_overlayer_lowered;
	s5 =	simm.s32 $_tile_overlayer_lowered  }
0x9b: {  	s22 =	simm.s32 $0x1BFF;
	s21 =	sshll.u32 s5, $0x1;
	s2 =	sadd.s32 s19, s18  }
0x9c: {  	s6 =	simm.s32 $0x0;
	s20 =	sshll.u32 s4, $0x1;
	s4 =	sadd.s32 s21, s2  }
0x9d: {  	[timem:s6], [sflag:s22] =	dma.local [hbm:s4], s20  }
0x9e: {  	_ =	swait.ge [sflag:s22], s20  }
0x9f: {  	s3 =	ssub.s32 $0x0, s20;
	[sflag:s22] =	ssyncset.done $0x0  }
0xa0: {  	[sflag:s22] =	ssyncadd.s32 s3;
	_ =	sdelay $0x1  }
0xa1: {  	s23 =	simm.s32 $0x1B8B  }
0xa2: {  	_ =	swait.ge [sflag:s23], $0x1  }
0xa3: {  	[sflag:s23] =	ssyncset.done $0x0  }
0xa4: {  	s25 =	simm.s32 $0x1B8E;
	s24 =	sld [smem:$0x3FFE];
	[sflag:s23] =	ssyncadd.s32 $0xFFFFFFFF  }
0xa5: {  	s26 =	simm.s32 $execute0_lowered;
	[smem:$0x3FD2] =	sst s25  }
0xa6: {  	s4 =	sshll.u32 s26, $0x1;
	_ =	strace $0x80000046;
	[dreg:$0x1] =	wrdreg $0xFFFFFFFF  }
0xa7: {  	s28 =	simm.s32 $_size_execute0_lowered;
	s2 =	sadd.s32 s2, s4;
	[dreg:$0x0] =	wrdreg $0x0  }
0xa8: {  	s4 =	sshll.u32 s28, $0x1;
	[dreg:$0x2] =	wrdreg s2  }
0xa9: {  	[dreg:$0x3] =	wrdreg s4  }
0xaa: {  	[dreg:$0x4] =	wrdreg $0xC0  }
0xab: {  	_ =	task [dreg:s6], $0x5FFFF  }
0xac: {  	[dreg:$0x1] =	wrdreg $0xFFFFFFFF  }
0xad: {  	[dreg:$0x0] =	wrdreg $0x60  }
0xae: {  	[dreg:$0x2] =	wrdreg s24  }
0xaf: {  	[dreg:$0x3] =	wrdreg $0x9  }
0xb0: {  	_ =	task.clear_ibuf [dreg:s6], $0x4FFFF;
	_ =	strace $0x90000046  }
0xb1: {  	s29 =	simm.s32 $0x9;
	_ =	strace $0x80000048  }
0xb2: {  	_ =	swait.ge [sflag:s29], $0x1  }
0xb3: {  	[sflag:s29] =	ssyncadd.s32 $0xFFFFFFFF  }
0xb4: {  	_ =	strace $0x90000048  }
0xb5: {  	_ =	sfence  }
0xb6: {  	s30 =	sld [smem:$0x0];
	_ =	sdelay $0x2  }
0xb7: {  	s31 =	sshll.u32 s1, $0xD;
	s1 =	sshrl.u32 s1, $0x2  }
0xb8: {  	s3 =	sand.u32 $0x4000, s31;
	s1 =	sadd.s32 s1, s30  }
0xb9: {  	s0 =	sor.u32 s3, s0;
	s1 =	sshll.u32 s1, $0x11  }
0xba: {  	s0 =	sor.u32 s1, s0  }
0xbb: {  	s0 =	sadd.s32 $0x8F2B, s0  }
0xbc: {  	[sflag:s0] =	ssyncadd.remote.s32 $0x1  }
0xbd: {  	_ =	sfence.sel $0xFFFF  }
0xbe: {  	[dreg:$0x0] =	wrdreg $0xFFFFFFFF;
	(pc) =	sbr.abs _section_cstart, $3  }
0xbf: {  	[dreg:$0x1] =	wrdreg $0xFFFFFFFF  }
0xc0: {  	_ =	task.clear_ibuf [dreg:s6], $0x2FFFF;
	_ =	strace $0x9FFFFFFF  }
0xc1: {  	(tm) =	ssettm $0x7FFFFFFF  }
tec
execute0_lowered:
.L_overlay_start_1:
0x0: {  	(tag) =	ssettag $0x1  }
0x1: {  	s0 =	srdreg.scid  }
0x2: {  	s8 =	stileid.u32;
	s1 =	rddreg [dreg:$0x0];
	s2 =	simm.s32 $0x0  }
0x3: {  	s29 =	simm.s32 $0x12400;
	s30 =	simm.s32 $0x1;
	s0 =	sand.u32 $0x1, s0  }
0x4: {  	s3 =	sshll.u32 s8, $0x1;
	[smem:$0x7FF] =	sst s2;
	s19 =	smul.u32 $0x640000, s8  }
0x5: {  	s3 =	sor.u32 s0, s3;
	s5 =	ssub.s32 $0x2, s0;
	s0 =	smul.u32 $0x320000, s0  }
0x6: {  	s31 =	simm.s32 $0x0;
	_ =	strace $0x80000047;
	s4 =	smul.u32 $0xC80, s3  }
0x7: {  	s6 =	smul.u32 $0x320000, s3;
	s3 =	sadd.s32 $0x19800, s1;
	s7 =	sshrl.u32 s5, $0x1  }
0x8: {  	s7 =	ssub.s32 s5, s7;
	s0 =	sadd.s32 s0, s19;
	s4 =	sadd.s32 s4, s1  }
0x9: {  	s1 =	sadd.s32 $0x119800, s1;
	s18 =	sshrl.u32 s6, $0x3;
	s25 =	sor.u32 $0x1C000, s0  }
0xa: {  	s15 =	smax.u32 s7, $0x1;
	s26 =	sor.u32 $0x18000, s0;
	s28 =	sor.u32 $0x14000, s0  }
0xb: {  	s4 =	sadd.s32 $0x800, s4;
	s5 =	sadd.s32 s1, s18;
	s6 =	sshrl.u32 s25, $0x3  }
0xc: {  	[dreg:$0x2] =	wrdreg s4;
	s20 =	sadd.s32 $0x800, s5;
	s21 =	sadd.s32 $0x1000, s5  }
0xd: {  	s22 =	sadd.s32 $0x1800, s5;
	s23 =	sadd.s32 $0x2000, s5;
	s24 =	sadd.s32 $0x61800, s5  }
0xe: {  	s11 =	sadd.s32 $0x62000, s5;
	s12 =	sadd.s32 $0x62800, s5;
	[dreg:$0x3] =	wrdreg s20  }
0xf: {  	s13 =	sadd.s32 $0x63000, s5;
	s4 =	sadd.s32 $0x20000, s0;
	[dreg:$0x4] =	wrdreg s21  }
0x10: {  	s14 =	sadd.s32 $0x63800, s5;
	s17 =	sadd.s32 s6, s1;
	[dreg:$0x5] =	wrdreg s22  }
0x11: {  	s0 =	sadd.s32 $0x24000, s0;
	s6 =	sshrl.u32 s28, $0x3;
	[dreg:$0x6] =	wrdreg s23  }
0x12: {  	[dreg:$0x7] =	wrdreg s24;
	s4 =	sshrl.u32 s4, $0x3;
	s0 =	sshrl.u32 s0, $0x3  }
0x13: {  	s19 =	sadd.s32 s6, s1;
	s21 =	simm.s32 $0x3;
	s22 =	simm.s32 $0x80  }
0x14: {  	s23 =	simm.s32 $0x6400;
	s24 =	simm.s32 $0xA400;
	s16 =	sadd.s32 s4, s1  }
0x15: {  	s4 =	sshrl.u32 s26, $0x3;
	s20 =	sadd.s32 s0, s1;
	s26 =	simm.s32 $0xE400  }
0x16: {  	s0 =	simm.s32 $0x2;
	s18 =	sadd.s32 s4, s1;
	s1 =	simm.s32 $0x16400  }
.LBB2_1:
0x17: {  	s4 =	rddreg [dreg:$0x2]  }
0x18: {  	[tilespmem:s2], [sflag:$0x3] =	stream.linear.gather [hbm4b:s4+s2], $0x6400, $0x38;
	[tilespmem:$0x1A400] =	vst v63  }
0x19: {  	_ =	swait.ge [sflag:s21], $0x6400  }
0x1a: {  	[sflag:s21] =	ssyncset.done $0x0  }
0x1b: {  	[sflag:s21] =	ssyncadd.s32 $0xFFFF9C00  }
0x1c: {  	[tilespmem:s23], [sflag:$0x1] =	stream.indirect.gather [hbm4b:s3+s22], $0x80, s2, s22, $0xb8;
	[tilespmem:$0x1A400] =	vst v63  }
0x1d: {  	_ = 	snop  }
0x1e: {  	[tilespmem:s24], [sflag:$0x1] =	stream.indirect.gather [hbm4b:s3+s22], $0x80, s22, s22, $0xb8;
	[tilespmem:$0x1A400] =	vst v63  }
0x1f: {  	s9 =	simm.s32 $0x100  }
0x20: {  	[tilespmem:s26], [sflag:$0x1] =	stream.indirect.gather [hbm4b:s3+s22], $0x80, s9, s22, $0xb8;
	[tilespmem:$0x1A400] =	vst v63  }
0x21: {  	s10 =	simm.s32 $0x180  }
0x22: {  	[tilespmem:s29], [sflag:$0x1] =	stream.indirect.gather [hbm4b:s3+s22], $0x80, s10, s22, $0xb8;
	[tilespmem:$0x1A400] =	vst v63  }
0x23: {  	_ =	swait.ge [sflag:s30], $0x4000  }
0x24: {  	[sflag:s30] =	ssyncset.done $0x0  }
0x25: {  	[sflag:s30] =	ssyncadd.s32 $0xFFFFC000  }
0x26: {  	[hbm4b:s5+s2] =	stream.linear.scatter [tilespmem:s23], [sflag:$0x2], $0x4000, $0x38;
	[tilespmem:$0x1A400] =	vst v63  }
0x27: {  	s25 =	simm.s32 $0x200  }
0x28: {  	[tilespmem:s1], [sflag:$0x1] =	stream.indirect.gather [hbm4b:s3+s22], $0x80, s25, s22, $0xb8;
	[tilespmem:$0x1A400] =	vst v63  }
0x29: {  	_ =	swait.ge [sflag:s30], $0x4000  }
0x2a: {  	[sflag:s30] =	ssyncset.done $0x0  }
0x2b: {  	s6 =	rddreg [dreg:$0x3];
	[sflag:s30] =	ssyncadd.s32 $0xFFFFC000  }
0x2c: {  	[hbm4b:s6+s2] =	stream.linear.scatter [tilespmem:s24], [sflag:$0x2], $0x4000, $0x38;
	[tilespmem:$0x1A400] =	vst v63  }
0x2d: {  	_ =	swait.ge [sflag:s0], $0x4000  }
0x2e: {  	[sflag:s0] =	ssyncset.done $0x0  }
0x2f: {  	s7 =	simm.s32 $0x280;
	[sflag:s0] =	ssyncadd.s32 $0xFFFFC000  }
0x30: {  	[tilespmem:s23], [sflag:$0x1] =	stream.indirect.gather [hbm4b:s3+s22], $0x80, s7, s22, $0xb8;
	[tilespmem:$0x1A400] =	vst v63  }
0x31: {  	_ =	swait.ge [sflag:s30], $0x4000  }
0x32: {  	[sflag:s30] =	ssyncset.done $0x0  }
0x33: {  	s8 =	rddreg [dreg:$0x4];
	[sflag:s30] =	ssyncadd.s32 $0xFFFFC000  }
0x34: {  	[hbm4b:s8+s2] =	stream.linear.scatter [tilespmem:s26], [sflag:$0x2], $0x4000, $0x38;
	[tilespmem:$0x1A400] =	vst v63  }
0x35: {  	_ =	swait.ge [sflag:s0], $0x4000  }
0x36: {  	[sflag:s0] =	ssyncset.done $0x0  }
0x37: {  	s9 =	simm.s32 $0x300;
	[sflag:s0] =	ssyncadd.s32 $0xFFFFC000  }
0x38: {  	[tilespmem:s24], [sflag:$0x1] =	stream.indirect.gather [hbm4b:s3+s22], $0x80, s9, s22, $0xb8;
	[tilespmem:$0x1A400] =	vst v63  }
0x39: {  	_ =	swait.ge [sflag:s30], $0x4000  }
0x3a: {  	[sflag:s30] =	ssyncset.done $0x0  }
0x3b: {  	s10 =	rddreg [dreg:$0x5];
	[sflag:s30] =	ssyncadd.s32 $0xFFFFC000  }
0x3c: {  	[hbm4b:s10+s2] =	stream.linear.scatter [tilespmem:s29], [sflag:$0x2], $0x4000, $0x38;
	[tilespmem:$0x1A400] =	vst v63  }
0x3d: {  	_ =	swait.ge [sflag:s0], $0x4000  }
0x3e: {  	[sflag:s0] =	ssyncset.done $0x0  }
0x3f: {  	s25 =	simm.s32 $0x380;
	[sflag:s0] =	ssyncadd.s32 $0xFFFFC000  }
0x40: {  	[tilespmem:s26], [sflag:$0x1] =	stream.indirect.gather [hbm4b:s3+s22], $0x80, s25, s22, $0xb8;
	[tilespmem:$0x1A400] =	vst v63  }
0x41: {  	_ =	swait.ge [sflag:s30], $0x4000  }
0x42: {  	[sflag:s30] =	ssyncset.done $0x0  }
0x43: {  	s6 =	rddreg [dreg:$0x6];
	[sflag:s30] =	ssyncadd.s32 $0xFFFFC000  }
0x44: {  	[hbm4b:s6+s2] =	stream.linear.scatter [tilespmem:s1], [sflag:$0x2], $0x4000, $0x38;
	[tilespmem:$0x1A400] =	vst v63  }
0x45: {  	_ =	swait.ge [sflag:s0], $0x4000  }
0x46: {  	[sflag:s0] =	ssyncset.done $0x0  }
0x47: {  	s7 =	simm.s32 $0x400;
	[sflag:s0] =	ssyncadd.s32 $0xFFFFC000  }
0x48: {  	[tilespmem:s29], [sflag:$0x1] =	stream.indirect.gather [hbm4b:s3+s22], $0x80, s7, s22, $0xb8;
	[tilespmem:$0x1A400] =	vst v63  }
0x49: {  	_ =	swait.ge [sflag:s30], $0x4000  }
0x4a: {  	[sflag:s30] =	ssyncset.done $0x0  }
0x4b: {  	[sflag:s30] =	ssyncadd.s32 $0xFFFFC000  }
0x4c: {  	[hbm4b:s19+s2] =	stream.linear.scatter [tilespmem:s23], [sflag:$0x2], $0x4000, $0x38;
	[tilespmem:$0x1A400] =	vst v63  }
0x4d: {  	_ =	swait.ge [sflag:s0], $0x4000  }
0x4e: {  	[sflag:s0] =	ssyncset.done $0x0  }
0x4f: {  	s8 =	simm.s32 $0x480;
	[sflag:s0] =	ssyncadd.s32 $0xFFFFC000  }
0x50: {  	[tilespmem:s1], [sflag:$0x1] =	stream.indirect.gather [hbm4b:s3+s22], $0x80, s8, s22, $0xb8;
	[tilespmem:$0x1A400] =	vst v63  }
0x51: {  	_ =	swait.ge [sflag:s30], $0x4000  }
0x52: {  	[sflag:s30] =	ssyncset.done $0x0  }
0x53: {  	[sflag:s30] =	ssyncadd.s32 $0xFFFFC000  }
0x54: {  	[hbm4b:s18+s2] =	stream.linear.scatter [tilespmem:s24], [sflag:$0x2], $0x4000, $0x38;
	[tilespmem:$0x1A400] =	vst v63  }
0x55: {  	_ =	swait.ge [sflag:s0], $0x4000  }
0x56: {  	[sflag:s0] =	ssyncset.done $0x0  }
0x57: {  	s9 =	simm.s32 $0x500;
	[sflag:s0] =	ssyncadd.s32 $0xFFFFC000  }
0x58: {  	[tilespmem:s23], [sflag:$0x1] =	stream.indirect.gather [hbm4b:s3+s22], $0x80, s9, s22, $0xb8;
	[tilespmem:$0x1A400] =	vst v63  }
0x59: {  	_ =	swait.ge [sflag:s30], $0x4000  }
0x5a: {  	[sflag:s30] =	ssyncset.done $0x0  }
0x5b: {  	[sflag:s30] =	ssyncadd.s32 $0xFFFFC000  }
0x5c: {  	[hbm4b:s17+s2] =	stream.linear.scatter [tilespmem:s26], [sflag:$0x2], $0x4000, $0x38;
	[tilespmem:$0x1A400] =	vst v63  }
0x5d: {  	_ =	swait.ge [sflag:s0], $0x4000  }
0x5e: {  	[sflag:s0] =	ssyncset.done $0x0  }
0x5f: {  	s10 =	simm.s32 $0x580;
	[sflag:s0] =	ssyncadd.s32 $0xFFFFC000  }
0x60: {  	[tilespmem:s24], [sflag:$0x1] =	stream.indirect.gather [hbm4b:s3+s22], $0x80, s10, s22, $0xb8;
	[tilespmem:$0x1A400] =	vst v63  }
0x61: {  	_ =	swait.ge [sflag:s30], $0x4000  }
0x62: {  	[sflag:s30] =	ssyncset.done $0x0  }
0x63: {  	[sflag:s30] =	ssyncadd.s32 $0xFFFFC000  }
0x64: {  	[hbm4b:s16+s2] =	stream.linear.scatter [tilespmem:s29], [sflag:$0x2], $0x4000, $0x38;
	[tilespmem:$0x1A400] =	vst v63  }
0x65: {  	_ =	swait.ge [sflag:s0], $0x4000  }
0x66: {  	[sflag:s0] =	ssyncset.done $0x0  }
0x67: {  	s25 =	simm.s32 $0x600;
	[sflag:s0] =	ssyncadd.s32 $0xFFFFC000  }
0x68: {  	[tilespmem:s26], [sflag:$0x1] =	stream.indirect.gather [hbm4b:s3+s22], $0x80, s25, s22, $0xb8;
	[tilespmem:$0x1A400] =	vst v63  }
0x69: {  	_ =	swait.ge [sflag:s30], $0x4000  }
0x6a: {  	[sflag:s30] =	ssyncset.done $0x0  }
0x6b: {  	s28 =	sadd.s32 $0x2800, s19;
	[sflag:s30] =	ssyncadd.s32 $0xFFFFC000  }
0x6c: {  	[hbm4b:s20+s2] =	stream.linear.scatter [tilespmem:s1], [sflag:$0x2], $0x4000, $0x38;
	[tilespmem:$0x1A400] =	vst v63  }
0x6d: {  	s4 =	sadd.s32 $0x2800, s20;
	s6 =	sadd.s32 $0x2800, s17;
	_ =	swait.ge [sflag:s0], $0x4000  }
0x6e: {  	s7 =	sadd.s32 $0x2800, s18;
	s8 =	sadd.s32 $0x2800, s16;
	[sflag:s0] =	ssyncset.done $0x0  }
0x6f: {  	s9 =	simm.s32 $0x680;
	s25 =	simm.s32 $0xA00;
	[sflag:s0] =	ssyncadd.s32 $0xFFFFC000  }
.LBB2_2:
0x70: {  	[tilespmem:s29], [sflag:$0x1] =	stream.indirect.gather [hbm4b:s3+s22], $0x80, s9, s22, $0xb8;
	[tilespmem:$0x1A400] =	vst v63  }
0x71: {  	s9 =	smov.u32 s25  }
0x72: {  	p0 =	sne.s32 s25, $0x17200;
	s25 =	sadd.s32 $0xA00, s25;
	_ =	swait.ge [sflag:s30], $0x4000  }
0x73: {  	[sflag:s30] =	ssyncset.done $0x0  }
0x74: {  	[sflag:s30] =	ssyncadd.s32 $0xFFFFC000  }
0x75: {  	[hbm4b:s28+s2] =	stream.linear.scatter [tilespmem:s23], [sflag:$0x2], $0x4000, $0x38;
	[tilespmem:$0x1A400] =	vst v63  }
0x76: {  	_ =	swait.ge [sflag:s0], $0x4000  }
0x77: {  	s9 =	sshra.s32 s9, $0x2;
	[sflag:s0] =	ssyncset.done $0x0  }
0x78: {  	s10 =	sadd.s32 $0x480, s9;
	[sflag:s0] =	ssyncadd.s32 $0xFFFFC000  }
0x79: {  	[tilespmem:s1], [sflag:$0x1] =	stream.indirect.gather [hbm4b:s3+s22], $0x80, s10, s22, $0xb8;
	[tilespmem:$0x1A400] =	vst v63  }
0x7a: {  	_ =	swait.ge [sflag:s30], $0x4000  }
0x7b: {  	[sflag:s30] =	ssyncset.done $0x0  }
0x7c: {  	[sflag:s30] =	ssyncadd.s32 $0xFFFFC000  }
0x7d: {  	[hbm4b:s7+s2] =	stream.linear.scatter [tilespmem:s24], [sflag:$0x2], $0x4000, $0x38;
	[tilespmem:$0x1A400] =	vst v63  }
0x7e: {  	_ =	swait.ge [sflag:s0], $0x4000  }
0x7f: {  	[sflag:s0] =	ssyncset.done $0x0  }
0x80: {  	s10 =	sadd.s32 $0x500, s9;
	[sflag:s0] =	ssyncadd.s32 $0xFFFFC000  }
0x81: {  	[tilespmem:s23], [sflag:$0x1] =	stream.indirect.gather [hbm4b:s3+s22], $0x80, s10, s22, $0xb8;
	[tilespmem:$0x1A400] =	vst v63  }
0x82: {  	_ =	swait.ge [sflag:s30], $0x4000  }
0x83: {  	[sflag:s30] =	ssyncset.done $0x0  }
0x84: {  	[sflag:s30] =	ssyncadd.s32 $0xFFFFC000  }
0x85: {  	[hbm4b:s6+s2] =	stream.linear.scatter [tilespmem:s26], [sflag:$0x2], $0x4000, $0x38;
	[tilespmem:$0x1A400] =	vst v63  }
0x86: {  	_ =	swait.ge [sflag:s0], $0x4000  }
0x87: {  	[sflag:s0] =	ssyncset.done $0x0  }
0x88: {  	s10 =	sadd.s32 $0x580, s9;
	[sflag:s0] =	ssyncadd.s32 $0xFFFFC000  }
0x89: {  	[tilespmem:s24], [sflag:$0x1] =	stream.indirect.gather [hbm4b:s3+s22], $0x80, s10, s22, $0xb8;
	[tilespmem:$0x1A400] =	vst v63  }
0x8a: {  	_ =	swait.ge [sflag:s30], $0x4000  }
0x8b: {  	[sflag:s30] =	ssyncset.done $0x0  }
0x8c: {  	[sflag:s30] =	ssyncadd.s32 $0xFFFFC000  }
0x8d: {  	[hbm4b:s8+s2] =	stream.linear.scatter [tilespmem:s29], [sflag:$0x2], $0x4000, $0x38;
	[tilespmem:$0x1A400] =	vst v63  }
0x8e: {  	_ =	swait.ge [sflag:s0], $0x4000  }
0x8f: {  	[sflag:s0] =	ssyncset.done $0x0  }
0x90: {  	s10 =	sadd.s32 $0x600, s9;
	[sflag:s0] =	ssyncadd.s32 $0xFFFFC000  }
0x91: {  	[tilespmem:s26], [sflag:$0x1] =	stream.indirect.gather [hbm4b:s3+s22], $0x80, s10, s22, $0xb8;
	[tilespmem:$0x1A400] =	vst v63  }
0x92: {  	_ =	swait.ge [sflag:s30], $0x4000  }
0x93: {  	[sflag:s30] =	ssyncset.done $0x0  }
.Ltmp0:
0x94: {  	[sflag:s30] =	ssyncadd.s32 $0xFFFFC000;
	(pc) =	sbr.rel @p0 .LBB2_2-.Ltmp0, $4  }
0x95: {  	[hbm4b:s4+s2] =	stream.linear.scatter [tilespmem:s1], [sflag:$0x2], $0x4000, $0x38;
	[tilespmem:$0x1A400] =	vst v63  }
0x96: {  	s28 =	sadd.s32 $0x2800, s28;
	s4 =	sadd.s32 $0x2800, s4;
	_ =	swait.ge [sflag:s0], $0x4000  }
0x97: {  	s7 =	sadd.s32 $0x2800, s7;
	s6 =	sadd.s32 $0x2800, s6;
	[sflag:s0] =	ssyncset.done $0x0  }
0x98: {  	s9 =	sadd.s32 $0x680, s9;
	s8 =	sadd.s32 $0x2800, s8;
	[sflag:s0] =	ssyncadd.s32 $0xFFFFC000  }
0x99: {  	[tilespmem:s29], [sflag:$0x1] =	stream.indirect.gather [hbm4b:s3+s22], $0x80, s9, s22, $0xb8;
	[tilespmem:$0x1A400] =	vst v63  }
0x9a: {  	_ =	swait.ge [sflag:s30], $0x4000  }
0x9b: {  	[sflag:s30] =	ssyncset.done $0x0  }
0x9c: {  	s4 =	rddreg [dreg:$0x7];
	[sflag:s30] =	ssyncadd.s32 $0xFFFFC000  }
0x9d: {  	[hbm4b:s4+s2] =	stream.linear.scatter [tilespmem:s23], [sflag:$0x2], $0x4000, $0x38;
	[tilespmem:$0x1A400] =	vst v63  }
0x9e: {  	_ =	swait.ge [sflag:s0], $0x4000  }
0x9f: {  	[sflag:s0] =	ssyncset.done $0x0  }
0xa0: {  	s28 =	simm.s32 $0x6380;
	[sflag:s0] =	ssyncadd.s32 $0xFFFFC000  }
0xa1: {  	[tilespmem:s1], [sflag:$0x1] =	stream.indirect.gather [hbm4b:s3+s22], $0x80, s28, s22, $0xb8;
	[tilespmem:$0x1A400] =	vst v63  }
0xa2: {  	_ =	swait.ge [sflag:s30], $0x4000  }
0xa3: {  	[sflag:s30] =	ssyncset.done $0x0  }
0xa4: {  	[sflag:s30] =	ssyncadd.s32 $0xFFFFC000  }
0xa5: {  	[hbm4b:s11+s2] =	stream.linear.scatter [tilespmem:s24], [sflag:$0x2], $0x4000, $0x38;
	[tilespmem:$0x1A400] =	vst v63  }
0xa6: {  	_ =	swait.ge [sflag:s0], $0x4000  }
0xa7: {  	[sflag:s0] =	ssyncset.done $0x0  }
0xa8: {  	[sflag:s0] =	ssyncadd.s32 $0xFFFFC000  }
0xa9: {  	_ =	swait.ge [sflag:s30], $0x4000  }
0xaa: {  	[sflag:s30] =	ssyncset.done $0x0  }
0xab: {  	[sflag:s30] =	ssyncadd.s32 $0xFFFFC000  }
0xac: {  	[hbm4b:s12+s2] =	stream.linear.scatter [tilespmem:s26], [sflag:$0x2], $0x4000, $0x38;
	[tilespmem:$0x1A400] =	vst v63  }
0xad: {  	_ =	swait.ge [sflag:s0], $0x4000  }
0xae: {  	[sflag:s0] =	ssyncset.done $0x0  }
0xaf: {  	[sflag:s0] =	ssyncadd.s32 $0xFFFFC000  }
0xb0: {  	_ =	swait.ge [sflag:s30], $0x4000  }
0xb1: {  	[sflag:s30] =	ssyncset.done $0x0  }
0xb2: {  	[sflag:s30] =	ssyncadd.s32 $0xFFFFC000  }
0xb3: {  	[hbm4b:s13+s2] =	stream.linear.scatter [tilespmem:s29], [sflag:$0x2], $0x4000, $0x38;
	[tilespmem:$0x1A400] =	vst v63  }
0xb4: {  	_ =	swait.ge [sflag:s0], $0x4000  }
0xb5: {  	[sflag:s0] =	ssyncset.done $0x0  }
0xb6: {  	[sflag:s0] =	ssyncadd.s32 $0xFFFFC000  }
0xb7: {  	_ =	swait.ge [sflag:s30], $0x4000  }
0xb8: {  	[sflag:s30] =	ssyncset.done $0x0  }
0xb9: {  	s31 =	sadd.s32 $0x1, s31;
	[sflag:s30] =	ssyncadd.s32 $0xFFFFC000  }
0xba: {  	[hbm4b:s14+s2] =	stream.linear.scatter [tilespmem:s1], [sflag:$0x2], $0x4000, $0x38;
	[tilespmem:$0x1A400] =	vst v63  }
0xbb: {  	p0 =	sne.s32 s31, s15;
	_ =	swait.ge [sflag:s0], $0x4000  }
.Ltmp1:
0xbc: {  	[sflag:s0] =	ssyncset.done $0x0;
	(pc) =	sbr.rel @p0 .LBB2_1-.Ltmp1, $4  }
0xbd: {  	[sflag:s0] =	ssyncadd.s32 $0xFFFFC000  }
0xbe: {  	_ =	swait.ge [sflag:s0], $0x4000  }
0xbf: {  	[sflag:s0] =	ssyncset.done $0x0  }
0xc0: {  	[sflag:s0] =	ssyncadd.s32 $0xFFFFC000  }
0xc1: {  	_ =	sfence.sel $0x180000  }
0xc2: {  	[bflag:$0x0] =	sbarrier.arrive $0xFFFF  }
0xc3: {  	_ =	strace $0x90000047  }
0xc4: {  	s0 =	stileid.u32;
	[bflag:$0x2] =	sbarrier.arrive $0xFFFF  }
0xc5: {  	p0 =	sne.s32 s0, $0x0;
	s0 =	rddreg [dreg:$0x1]  }
0xc6: {  	s0 =	sadd.s32 @!p0 $0x100000, s0  }
0xc7: {  	[sflag:s0] =	ssyncadd.tile.s32 @!p0 $0x1;
	_ =	shalt  }
.Lfunc_end2:
_tile_overlayer_lowered:
.L_overlay_start_2:
0xc8: {  	(tag) =	ssettag $0x2  }
0xc9: {  	s0 =	rddreg [dreg:$0x0];
	s2 =	stileid.u32  }
0xca: {  	s1 =	rddreg [dreg:$0x1];
	p0 =	sne.s32 s2, $0x0  }
0xcb: {  	s3 =	rddreg [dreg:$0x2];
	[bflag:$0x3] =	sbarrier.arrive $0xFFFF;
	s2 =	simm.s32 @!p0 $0x1C03  }
0xcc: {  	[timem:s3], [sflag:s2] =	dma.local @!p0 [hbm:s0], s1  }
0xcd: {  	s0 =	simm.s32 @!p0 $0x3  }
0xce: {  	_ =	swait.ge @!p0 [sflag:s0], s1  }
0xcf: {  	s1 =	ssub.s32 @!p0 $0x0, s1;
	[sflag:s0] =	ssyncset.done @!p0 $0x0  }
0xd0: {  	[sflag:s0] =	ssyncadd.s32 @!p0 s1  }
0xd1: {  	[bflag:$0x3] =	sbarrier.arrive $0xFFFF  }
0xd2: {  	_ =	shalt  }

// kernel: sparse-core-data-format-call.cloned.1.call-start
scs
called_computation_lowered:
.L_overlay_start_0:
0x0: {  	s2 =	sld [smem:$0x3FD9]  }
0x1: {  	s3 =	sld [smem:$0x3FFE];
	_ =	sdelay $0x1  }
0x2: {  	s1 =	srdreg.scid  }
0x3: {  	s0 =	sand.u32 $0x1, s1  }
0x4: {  	s18 =	sshll.u32 s0, $0xA;
	s2 =	sadd.s32 s3, s2  }
0x5: {  	s2 =	sadd.s32 s2, s18  }
0x6: {  	[smem:$0x3FC6] =	sst s2  }
0x7: {  	_ = 	snop  }
0x8: {  	s2 =	sld [smem:$0x3FD0];
	(tm) =	ssettm $0x1  }
0x9: {  	s19 =	sld [smem:$0x3FFB];
	_ =	sdelay $0x3  }
0xa: {  	_ =	strace s19  }
0xb: {  	s3 =	sld [smem:$0x3FFC];
	_ =	sdelay $0x3  }
0xc: {  	_ =	strace s3  }
0xd: {  	s3 =	sld [smem:$0x3FFD];
	_ =	sdelay $0x3  }
0xe: {  	_ =	strace s3  }
0xf: {  	_ =	strace $0x8FFFFFFF  }
0x10: {  	s20 =	sld [smem:$0x3FDB];
	_ =	sdelay $0x1  }
0x11: {  	s4 =	simm.s32 $_scs_section_size  }
0x12: {  	s5 =	simm.s32 $_size__tile_overlayer_lowered;
	s6 =	simm.s32 $_tile_overlayer_lowered  }
0x13: {  	s23 =	simm.s32 $0x1BFF;
	s22 =	sshll.u32 s6, $0x1;
	s3 =	sadd.s32 s4, s20  }
0x14: {  	s7 =	simm.s32 $0x0;
	s21 =	sshll.u32 s5, $0x1;
	s5 =	sadd.s32 s22, s3  }
0x15: {  	[timem:s7], [sflag:s23] =	dma.local [hbm:s5], s21  }
0x16: {  	_ =	swait.ge [sflag:s23], s21  }
0x17: {  	s4 =	ssub.s32 $0x0, s21;
	[sflag:s23] =	ssyncset.done $0x0  }
0x18: {  	[sflag:s23] =	ssyncadd.s32 s4;
	_ =	sdelay $0x1  }
0x19: {  	s24 =	simm.s32 $0x1B8B  }
0x1a: {  	_ =	swait.ge [sflag:s24], $0x1  }
0x1b: {  	[sflag:s24] =	ssyncset.done $0x0  }
0x1c: {  	s26 =	simm.s32 $0x1B8E;
	s25 =	sld [smem:$0x3FFE];
	[sflag:s24] =	ssyncadd.s32 $0xFFFFFFFF  }
0x1d: {  	s27 =	simm.s32 $execute0_lowered;
	[smem:$0x3FD2] =	sst s26  }
0x1e: {  	s5 =	sshll.u32 s27, $0x1;
	_ =	strace $0x80000049;
	[dreg:$0x1] =	wrdreg $0xFFFFFFFF  }
0x1f: {  	s28 =	simm.s32 $_size_execute0_lowered;
	s3 =	sadd.s32 s3, s5;
	[dreg:$0x0] =	wrdreg $0x0  }
0x20: {  	s5 =	sshll.u32 s28, $0x1;
	[dreg:$0x2] =	wrdreg s3  }
0x21: {  	[dreg:$0x3] =	wrdreg s5  }
0x22: {  	[dreg:$0x4] =	wrdreg $0xC0  }
0x23: {  	_ =	task [dreg:s7], $0x5FFFF  }
0x24: {  	[dreg:$0x1] =	wrdreg $0xFFFFFFFF  }
0x25: {  	[dreg:$0x0] =	wrdreg $0x60  }
0x26: {  	[dreg:$0x2] =	wrdreg s25  }
0x27: {  	[dreg:$0x3] =	wrdreg s2  }
0x28: {  	[dreg:$0x4] =	wrdreg $0x9  }
0x29: {  	_ =	task.clear_ibuf [dreg:s7], $0x5FFFF;
	_ =	strace $0x90000049  }
0x2a: {  	s29 =	simm.s32 $0x9;
	_ =	strace $0x8000004B  }
0x2b: {  	_ =	swait.ge [sflag:s29], $0x1  }
0x2c: {  	[sflag:s29] =	ssyncadd.s32 $0xFFFFFFFF  }
0x2d: {  	_ =	strace $0x9000004B  }
0x2e: {  	_ =	sfence  }
0x2f: {  	s30 =	sld [smem:$0x0];
	_ =	sdelay $0x2  }
0x30: {  	s31 =	sshll.u32 s1, $0xD;
	s1 =	sshrl.u32 s1, $0x2  }
0x31: {  	s3 =	sand.u32 $0x4000, s31;
	s1 =	sadd.s32 s1, s30  }
0x32: {  	s0 =	sor.u32 s3, s0;
	s1 =	sshll.u32 s1, $0x11  }
0x33: {  	s0 =	sor.u32 s1, s0  }
0x34: {  	s0 =	sadd.s32 $0x8F2B, s0  }
0x35: {  	[sflag:s0] =	ssyncadd.remote.s32 $0x1  }
0x36: {  	_ =	sfence.sel $0xFFFF  }
0x37: {  	[dreg:$0x0] =	wrdreg $0xFFFFFFFF;
	(pc) =	sbr.abs _section_cstart, $3  }
0x38: {  	[dreg:$0x1] =	wrdreg $0xFFFFFFFF  }
0x39: {  	_ =	task.clear_ibuf [dreg:s7], $0x2FFFF;
	_ =	strace $0x9FFFFFFF  }
0x3a: {  	(tm) =	ssettm $0x7FFFFFFF  }
0x3b: {  	_ =	shalt  }
tec
execute0_lowered:
.L_overlay_start_1:
0x0: {  	(tag) =	ssettag $0x1  }
0x1: {  	s0 =	srdreg.scid  }
0x2: {  	s1 =	sshll.u32 s0, $0x4  }
0x3: {  	s6 =	rddreg [dreg:$0x0];
	s0 =	stileid.u32;
	s1 =	sand.u32 $0x10, s1  }
0x4: {  	s3 =	rddreg [dreg:$0x1];
	s1 =	sor.u32 s0, s1  }
0x5: {  	s5 =	simm.s32 $0x1;
	s31 =	simm.s32 $0x2;
	s2 =	sshll.u32 s1, $0x7  }
0x6: {  	s15 =	simm.s32 $0x0;
	s8 =	simm.s32 $0xC8000;
	s4 =	ssub.s32 $0x1000, s2  }
0x7: {  	s14 =	simm.s32 $0x0;
	s9 =	simm.s32 $0x0;
	s30 =	sand.u32 $0xF80, s4  }
0x8: {  	s10 =	simm.s32 $0x0;
	s11 =	simm.s32 $0x0;
	p0 =	sne.s32 s30, $0x0  }
.Ltmp0:
0x9: {  	s7 =	sshrl.u32 s4, $0xC;
	s5 =	simm.s32 @!p0 $0x0;
	(pc) =	sbr.rel .LBB1_1-.Ltmp0, $4  }
0xa: {  	s13 =	simm.s32 $0x0;
	s1 =	rddreg [dreg:$0x2];
	s5 =	sadd.s32 s5, s7  }
0xb: {  	_ =	strace $0x8000004A;
	s4 =	simm.s32 $0x1;
	s5 =	smul.u32 $0xC8, s5  }
0xc: {  	s6 =	sadd.s32 $0x119800, s6;
	s12 =	smov.u32 s2;
	[sflag:s4] =	ssyncpa.u1 $0x0  }
0xd: {  	[sflag:s31] =	ssyncpa.u1 $0x0;
	p0 =	por $0x0, $0x0;
	s7 =	sor.u32 $0x1, s5  }
.LBB1_4:
0xe: {  	s20 =	sshra.s32 s20, $0x2;
	s27 =	sshll.u32 s9, $0xC  }
0xf: {  	s21 =	sand.u32 $0x78, s10;
	s22 =	sshll.u32 s10, $0x3;
	s24 =	sshll.u32 s9, $0x7  }
0x10: {  	p1 =	sgt.s32 s9, $0xC7;
	s30 =	sshra.s32 s9, $0x1F;
	s25 =	sshra.s32 s10, $0x1F  }
0x11: {  	s19 =	sadd.s32 s20, s19;
	s20 =	sand.u32 $0xFFFF8000, s27;
	s23 =	sand.u32 $0xFFFFFC00, s22  }
0x12: {  	v5 =	vld [tilespmem:s17+$0xFFFFFFD0];
	[tilespmem:s18+$0x2040 ss:$0x81] =	vst.msk $0xffff, v4;
	s22 =	sand.u32 $0xC00, s22;
	s28 =	sand.u32 $0x380, s24;
	s31 =	sand.u32 s30, s9  }
0x13: {  	v58 =	vld [tilespmem:s17+$0xFFFFFFE0];
	[tilespmem:s18+$0x2850 ss:$0x81] =	vst.msk $0xffff, v3;
	s24 =	smov.u32 s10;
	s25 =	sand.u32 s25, s10;
	s20 =	sadd.s32 s23, s20  }
0x14: {  	v59 =	vld [tilespmem:s17+$0xFFFFFFF0];
	[tilespmem:s18+$0x3060 ss:$0x81] =	vst.msk $0xffff, v2;
	s21 =	sor.u32 s21, s22;
	s22 =	smov.u32 s9;
	s20 =	sshrl.u32 s20, $0xC  }
0x15: {  	v60 =	vld [tilespmem:s17+$0x0];
	[tilespmem:s18+$0x0 ss:$0x81] =	vst.msk $0xffff, v1;
	s22 =	simm.s32 @!p1 $0xC7;
	p1 =	sgt.s32 s10, $0xF80;
	s29 =	smulhi.u32 $0x147AE15, s20  }
0x16: {  	v61 =	vld [tilespmem:s17+$0x10];
	[tilespmem:s19+$0x3870 ss:$0x81] =	vst.msk $0xffff, v0;
	s21 =	sor.u32 s28, s21;
	s18 =	ssub.s32 s22, s31;
	s24 =	simm.s32 @!p1 $0xF80  }
0x17: {  	v62 =	vld [tilespmem:s17+$0x20];
	[tilespmem:s19+$0x810 ss:$0x81] =	vst.msk $0xffff, v5;
	s22 =	ssub.s32 s24, s25;
	s26 =	ssub.s32 $0xC8, s18;
	s23 =	smul.u32 $0xC8, s29  }
0x18: {  	v63 =	vld [tilespmem:s17+$0xFFFFFFC0];
	[tilespmem:s19+$0x1020 ss:$0x81] =	vst.msk $0xffff, v58;
	s27 =	sadd.s32 $0xFFFFFF39, s18;
	s18 =	smul.u32 $0x64, s26;
	s28 =	sadd.s32 $0xFFFFF080, s22  }
0x19: {  	[tilespmem:s19+$0x1830 ss:$0x81] =	vst.msk $0xffff, v59;
	p1 =	sgt.s32 s27, $0x0;
	s17 =	ssub.s32 $0x1000, s22;
	p2 =	sgt.s32 s28, $0x7F  }
0x1a: {  	s30 =	sand.u32 $0x7, s10;
	[tilespmem:s19+$0x2040 ss:$0x81] =	vst.msk $0xffff, v60;
	s18 =	simm.s32 @p1 $0x0;
	s17 =	simm.s32 @p2 $0x0  }
0x1b: {  	[tilespmem:s19+$0x2850 ss:$0x81] =	vst.msk $0xffff, v61;
	s29 =	sshrl.u32 s21, $0x3;
	s20 =	ssub.s32 s20, s23;
	s17 =	smul.u32 s17, s18  }
0x1c: {  	[tilespmem:s19+$0x3060 ss:$0x81] =	vst.msk $0xffff, v62;
	s21 =	sshll.u32 s30, $0x12;
	s20 =	sshll.u32 s20, $0x9;
	s18 =	sadd.s32 s3, s29  }
0x1d: {  	[tilespmem:s19+$0x0 ss:$0x81] =	vst.msk $0xffff, v63;
	s31 =	sor.u32 $0x80, s21;
	s18 =	sadd.s32 s20, s18;
	s17 =	sand.u32 $0x3FFFFFFC, s17  }
0x1e: {  	[hbm4b:s18+s31] =	stream.strided.scatter [tilespmem:s16], [sflag:$0x2], s17, s8, s31, $0x20;
	[tilespmem:$0x10100] =	vst v63  }
.LBB1_5:
0x1f: {  	p1 =	slt.u32 s13, $0x2  }
0x20: {  	s17 =	smov.u32 s15;
	p2 =	sgt.s32 @!p1 s15, $0xC7;
	s16 =	sshra.s32 @!p1 s15, $0x1F  }
0x21: {  	p3 =	sgt.s32 @!p1 s14, $0xF80;
	s18 =	sshra.s32 @!p1 s14, $0x1F;
	p2 =	por !p2, p1  }
0x22: {  	s15 =	sand.u32 @!p1 s16, s15;
	p3 =	por !p3, p1;
	s16 =	smov.u32 s14  }
0x23: {  	s14 =	sand.u32 @!p1 s18, s14;
	s17 =	simm.s32 @p2 $0xC7;
	s16 =	simm.s32 @p3 $0xF80  }
0x24: {  	s18 =	smov.u32 s12;
	s15 =	ssub.s32 @!p1 s17, s15;
	s14 =	ssub.s32 @!p1 s16, s14  }
0x25: {  	s16 =	sadd.s32 @!p1 $0xFFFFFF39, s15;
	s15 =	ssub.s32 @!p1 $0xC8, s15;
	s17 =	sadd.s32 @!p1 $0xFFFFF080, s14  }
0x26: {  	p2 =	sgt.s32 @!p1 s16, $0x0;
	s15 =	smul.u32 @!p1 $0x64, s15;
	p3 =	sgt.s32 @!p1 s17, $0x7F  }
0x27: {  	s14 =	ssub.s32 @!p1 $0x1000, s14;
	p2 =	por !p2, p1;
	p3 =	por !p3, p1  }
0x28: {  	s16 =	sadd.s32 $0x1, s11;
	s15 =	simm.s32 @!p2 $0x0;
	s14 =	simm.s32 @!p3 $0x0  }
0x29: {  	p2 =	sgt.s32 s16, $0xC7;
	s14 =	smul.u32 @!p1 s14, s15;
	s15 =	sadd.s32 $0x1000, s12  }
0x2a: {  	s18 =	smov.u32 @p2 s15  }
0x2b: {  	s16 =	simm.s32 @p2 $0x0;
	p2 =	sgt.s32 s18, $0xFFF  }
0x2c: {  	s18 =	smov.u32 @p2 s2;
	p2 =	sne.s32 s13, s7  }
.Ltmp1:
0x2d: {  	p0 =	por !p0, !p0;
	s17 =	simm.s32 @!p1 $0x2;
	(pc) =	sbr.rel @!p2 .LBB1_6-.Ltmp1, $4  }
0x2e: {  	s15 =	smov.u32 s9;
	s9 =	smov.u32 s11;
	s14 =	sand.u32 @!p1 $0x3FFFFFFC, s14  }
0x2f: {  	s11 =	smov.u32 s16;
	_ =	swait.ge @!p1 [sflag:s17], s14;
	s19 =	ssub.s32 @!p1 $0x0, s14  }
0x30: {  	s14 =	smov.u32 s10;
	s13 =	sadd.s32 $0x1, s13;
	[sflag:s17] =	ssyncset.done @!p1 $0x0  }
0x31: {  	s10 =	smov.u32 s12;
	s12 =	smov.u32 s18;
	[sflag:s17] =	ssyncadd.s32 @!p1 s19  }
.LBB1_1:
0x32: {  	p1 =	sge.u32 s13, s5  }
0x33: {  	s16 =	sand.u32 @!p1 $0x1FFFFFF, s11  }
0x34: {  	s17 =	smulhi.u32 @!p1 $0x147AE15, s16;
	_ =	sdelay $0x1  }
0x35: {  	s17 =	smul.u32 @!p1 $0xC8, s17  }
0x36: {  	s18 =	sxor.u32 @!p1 $0xFFFFFFFF, s13;
	s19 =	smul.u32 @!p1 $0xC80, s12  }
0x37: {  	s31 =	sadd.s32 $0xFFFFFFFF, s13;
	s18 =	sshll.u32 @!p1 s18, $0xE;
	s16 =	ssub.s32 @!p1 s16, s17  }
0x38: {  	s17 =	sand.u32 @!p1 $0x4000, s18;
	s18 =	sadd.s32 @!p1 s6, s19;
	s16 =	sshll.u32 @!p1 s16, $0x4  }
0x39: {  	s19 =	simm.s32 @!p1 $0x6400;
	s16 =	sadd.s32 @!p1 s16, s18;
	s18 =	simm.s32 @!p1 $0x80  }
0x3a: {  	[tilespmem:s17], [sflag:$0x1] =	stream.strided.gather @!p1 [hbm4b:s16+s18], $0x4000, s19, s18, $0x38;
	[tilespmem:$0x10100] =	vst v63  }
0x3b: {  	p1 =	sge.u32 s31, s5  }
.Ltmp2:
0x3c: {  	_ = 	snop;
	(pc) =	sbr.rel @p1 .LBB1_5-.Ltmp2, $1  }
0x3d: {  	_ =	sdelay $0x3  }
0x3e: {  	s16 =	simm.s32 $0x1  }
0x3f: {  	_ =	swait.ge [sflag:s4], $0x4000;
	s16 =	simm.s32 @!p0 $0x0  }
0x40: {  	[sflag:s4] =	ssyncset.done $0x0;
	s17 =	sshll.u32 s16, $0xE  }
0x41: {  	[sflag:s4] =	ssyncadd.s32 $0xFFFFC000;
	s17 =	sor.u32 $0x40, s17  }
0x42: {  	s16 =	smul.u32 $0x10200, s16;
	v0 =	vld [tilespmem:s17+$0x30]  }
0x43: {  	v1 =	vld [tilespmem:s17+$0xFFFFFFD0]  }
0x44: {  	s16 =	sshrl.u32 s16, $0x2;
	v5 =	vld [tilespmem:s17+$0xFFFFFFE0]  }
0x45: {  	v6 =	vld [tilespmem:s17+$0xFFFFFFF0];
	s19 =	sor.u32 $0x8000, s16  }
0x46: {  	s31 =	sand.u32 $0x1, s13;
	v4 =	vld [tilespmem:s17+$0x0];
	s18 =	sadd.s32 $0x0, s19  }
0x47: {  	v3 =	vld [tilespmem:s17+$0x10];
	s16 =	smul.u32 $0x10200, s31;
	[tilespmem:s18+$0x3870 ss:$0x81] =	vst.msk $0xffff, v0  }
0x48: {  	v2 =	vld [tilespmem:s17+$0x20];
	[tilespmem:s18+$0x810 ss:$0x81] =	vst.msk $0xffff, v1  }
0x49: {  	s16 =	sshrl.u32 s16, $0x2;
	v1 =	vld [tilespmem:s17+$0xFFFFFFC0];
	[tilespmem:s18+$0x1020 ss:$0x81] =	vst.msk $0xffff, v5;
	s17 =	sadd.s32 $0x80, s17  }
0x4a: {  	s20 =	simm.s32 $0x4;
	s21 =	simm.s32 $0x8;
	s16 =	sor.u32 $0x8000, s16;
	[tilespmem:s18+$0x1830 ss:$0x81] =	vst.msk $0xffff, v6;
	v0 =	vld [tilespmem:s17+$0x30]  }
.LBB1_3:
0x4b: {  	p1 =	sne.s32 s21, $0x1FC;
	v5 =	vld [tilespmem:s17+$0xFFFFFFD0];
	[tilespmem:s18+$0x2040 ss:$0x81] =	vst.msk $0xffff, v4  }
0x4c: {  	v6 =	vld [tilespmem:s17+$0xFFFFFFE0];
	[tilespmem:s18+$0x2850 ss:$0x81] =	vst.msk $0xffff, v3  }
0x4d: {  	s22 =	sshra.s32 s20, $0x2;
	s20 =	smov.u32 s21;
	v7 =	vld [tilespmem:s17+$0xFFFFFFF0];
	[tilespmem:s18+$0x3060 ss:$0x81] =	vst.msk $0xffff, v2  }
.Ltmp3:
0x4e: {  	v4 =	vld [tilespmem:s17+$0x0];
	[tilespmem:s18+$0x0 ss:$0x81] =	vst.msk $0xffff, v1;
	s18 =	sadd.s32 s22, s19;
	(pc) =	sbr.rel @p1 .LBB1_3-.Ltmp3, $4  }
0x4f: {  	v3 =	vld [tilespmem:s17+$0x10];
	[tilespmem:s18+$0x3870 ss:$0x81] =	vst.msk $0xffff, v0  }
0x50: {  	[tilespmem:s18+$0x810 ss:$0x81] =	vst.msk $0xffff, v5;
	v2 =	vld [tilespmem:s17+$0x20]  }
0x51: {  	v1 =	vld [tilespmem:s17+$0xFFFFFFC0];
	[tilespmem:s18+$0x1020 ss:$0x81] =	vst.msk $0xffff, v6;
	s17 =	sadd.s32 $0x80, s17  }
0x52: {  	s21 =	sadd.s32 $0x4, s21;
	v0 =	vld [tilespmem:s17+$0x30];
	[tilespmem:s18+$0x1830 ss:$0x81] =	vst.msk $0xffff, v7  }
.Ltmp4:
0x53: {  	_ = 	snop;
	(pc) =	sbr.rel .LBB1_4-.Ltmp4, $1  }
0x54: {  	_ =	sdelay $0x3  }
.LBB1_6:
0x55: {  	_ =	sfence.sel $0x180000  }
0x56: {  	s2 =	simm.s32 $0x1;
	[bflag:$0x0] =	sbarrier.arrive $0xFFFF  }
0x57: {  	s31 =	simm.s32 $0x2;
	[sflag:s2] =	ssyncpa.u1 $0x1  }
0x58: {  	[sflag:s31] =	ssyncpa.u1 $0x1  }
0x59: {  	p0 =	sne.s32 s0, $0x0;
	_ =	strace $0x9000004A  }
0x5a: {  	s0 =	sadd.s32 @!p0 $0x100000, s1;
	[bflag:$0x2] =	sbarrier.arrive $0xFFFF  }
0x5b: {  	[sflag:s0] =	ssyncadd.tile.s32 @!p0 $0x1;
	_ =	shalt  }
.Lfunc_end1:
_tile_overlayer_lowered:
.L_overlay_start_2:
0x5c: {  	(tag) =	ssettag $0x2  }
0x5d: {  	s0 =	rddreg [dreg:$0x0];
	s2 =	stileid.u32  }
0x5e: {  	s1 =	rddreg [dreg:$0x1];
	p0 =	sne.s32 s2, $0x0  }
0x5f: {  	s3 =	rddreg [dreg:$0x2];
	[bflag:$0x3] =	sbarrier.arrive $0xFFFF;
	s2 =	simm.s32 @!p0 $0x1C01  }
0x60: {  	[timem:s3], [sflag:s2] =	dma.local @!p0 [hbm:s0], s1  }
0x61: {  	s0 =	simm.s32 @!p0 $0x1  }
0x62: {  	_ =	swait.ge @!p0 [sflag:s0], s1  }
0x63: {  	s1 =	ssub.s32 @!p0 $0x0, s1;
	[sflag:s0] =	ssyncset.done @!p0 $0x0  }
0x64: {  	[sflag:s0] =	ssyncadd.s32 @!p0 s1  }
0x65: {  	[bflag:$0x3] =	sbarrier.arrive $0xFFFF  }
0x66: {  	_ =	shalt  }

</sc_bundles>
